<compile_context>
chip_gen: v7x
topology: tpu7x:2x2x1
jax: 0.10.2.dev20260603
libtpu: 0.0.44.dev20260713+nightly
codegen_flags: <defaults>
</compile_context>

<pallas_src>
import functools

import jax
import jax.numpy as jnp
from jax import lax
from jax.experimental import pallas as pl
from jax.experimental.pallas import tpu as pltpu
from jax.experimental.pallas import tpu_sc as plsc

B = 16
D = 256
L = 1024
K = 8192
N_TOK = B * L
WINDOWS = ((0, 2736), (2736, 2736), (5472, 2720))
LOSS_SCALE = (1.0 + 0.25) / float(N_TOK * D)


def _dist_argmin_body(x_ref, cb_ref, xn_ref, cn_ref, idx_ref, loss_ref):
    b = pl.program_id(0)
    xbf = x_ref[0].astype(jnp.bfloat16)
    xn = xn_ref[0, 0, :]

    acc_vb = jnp.full((L,), jnp.inf, jnp.bfloat16)
    acc_vf = jnp.full((L,), jnp.inf, jnp.float32)
    acc_i = jnp.zeros((L,), jnp.int32)
    rowi_full = lax.broadcasted_iota(
        jnp.int32, (WINDOWS[0][1], L), 0).astype(jnp.float32)

    for start, size in WINDOWS:
        c = cb_ref[pl.ds(start, size), :]
        cn = cn_ref[0, pl.ds(start, size)]
        mm2 = lax.dot_general(
            c, xbf, (((1,), (0,)), ((), ())),
            preferred_element_type=jnp.float32)
        d = (xn[None, :] + cn[:, None]) - mm2
        vmin = jnp.min(d, axis=0)
        rowi = rowi_full[:size] if size < WINDOWS[0][1] else rowi_full
        imin_f = jnp.min(jnp.where(d == vmin[None, :], rowi, jnp.float32(K)),
                         axis=0)
        imin = imin_f.astype(jnp.int32) + start
        accf = acc_vb.astype(jnp.float32)
        keep = (accf < vmin) | jnp.isnan(accf) | ((accf == vmin) & (acc_vf <= vmin))
        acc_i = jnp.where(keep, acc_i, imin)
        acc_vf = jnp.where(keep, acc_vf, vmin)
        acc_vb = jnp.where(keep, acc_vb, vmin.astype(jnp.bfloat16))

    idx_ref[0, 0, :] = acc_i

    @pl.when(b == 0)
    def _init():
        loss_ref[0, 0] = jnp.float32(0.0)

    loss_ref[0, 0] = loss_ref[0, 0] + jnp.sum(acc_vf)


def _transpose_body(q_ref, x_ref, out_ref):
    qt = jnp.transpose(q_ref[:], (1, 0))
    x = x_ref[0]
    out_ref[0] = x + (qt - x)


_BH = B // 2
_NTOK_H = _BH * L
_NC, _NS = 2, 16
_NW = _NC * _NS
_PER_W = _NTOK_H // _NW
_GCH = 128
_NCH = _PER_W // _GCH


def _sc_gather_body(table_hbm, idx_hbm, out_hbm, idx_v, rows_v, sem):
    wid = lax.axis_index("s") * _NC + lax.axis_index("c")
    base = wid * _PER_W

    def body(ch, carry):
        off = base + ch * _GCH
        pltpu.sync_copy(idx_hbm.at[pl.ds(off, _GCH)], idx_v)
        pltpu.async_copy(table_hbm.at[idx_v], rows_v, sem).wait()
        pltpu.sync_copy(rows_v, out_hbm.at[pl.ds(off, _GCH)])
        return carry

    lax.fori_loop(0, _NCH, body, 0)


def _make_sc_gather():
    return pl.kernel(
        _sc_gather_body,
        out_type=jax.ShapeDtypeStruct((_NTOK_H, D), jnp.float32),
        mesh=plsc.VectorSubcoreMesh(core_axis_name="c", subcore_axis_name="s",
                                    num_cores=_NC, num_subcores=_NS),
        scratch_types=[
            pltpu.VMEM((_GCH,), jnp.int32),
            pltpu.VMEM((_GCH, D), jnp.float32),
            pltpu.SemaphoreType.DMA,
        ],
    )


def kernel(inputs, codebook):
    inputs_permuted = jnp.transpose(inputs, (0, 2, 1))
    xnorm = jnp.sum(inputs_permuted ** 2, axis=2)
    cnorm = jnp.sum(codebook ** 2, axis=1)
    codebook_bf = codebook.astype(jnp.bfloat16) * jnp.bfloat16(2.0)

    xnorm3 = xnorm.reshape(B, 1, L)
    cnorm2 = cnorm.reshape(1, K)

    def dist_argmin_half(off):
        return pl.pallas_call(
            _dist_argmin_body,
            grid=(_BH,),
            in_specs=[
                pl.BlockSpec((1, D, L), lambda i: (i + off, 0, 0)),
                pl.BlockSpec((K, D), lambda i: (0, 0)),
                pl.BlockSpec((1, 1, L), lambda i: (i + off, 0, 0)),
                pl.BlockSpec((1, K), lambda i: (0, 0)),
            ],
            out_specs=[
                pl.BlockSpec((1, 1, L), lambda i: (i, 0, 0)),
                pl.BlockSpec(memory_space=pltpu.SMEM),
            ],
            out_shape=[
                jax.ShapeDtypeStruct((_BH, 1, L), jnp.int32),
                jax.ShapeDtypeStruct((1, 1), jnp.float32),
            ],
        )(inputs, codebook_bf, xnorm3, cnorm2)

    idx_a, loss_a = dist_argmin_half(0)
    idx_b, loss_b = dist_argmin_half(_BH)

    gather = _make_sc_gather()
    q_a = gather(codebook, idx_a.reshape(_NTOK_H))
    q_b = gather(codebook, idx_b.reshape(_NTOK_H))

    quantized_half = pl.pallas_call(
        _transpose_body,
        grid=(_BH,),
        in_specs=[pl.BlockSpec((L, D), lambda i: (i, 0)),
                  pl.BlockSpec((1, D, L), lambda i: (i, 0, 0))],
        out_specs=pl.BlockSpec((1, D, L), lambda i: (i, 0, 0)),
        out_shape=jax.ShapeDtypeStruct((B, D, L), jnp.float32),
    )(q_a, inputs)

    quantized = pl.pallas_call(
        lambda prev_ref, q_ref, x_ref, out_ref: _transpose_body(
            q_ref, x_ref, out_ref),
        grid=(_BH,),
        in_specs=[pl.BlockSpec(memory_space=pltpu.MemorySpace.HBM),
                  pl.BlockSpec((L, D), lambda i: (i, 0)),
                  pl.BlockSpec((1, D, L), lambda i: (i + _BH, 0, 0))],
        out_specs=pl.BlockSpec((1, D, L), lambda i: (i + _BH, 0, 0)),
        out_shape=jax.ShapeDtypeStruct((B, D, L), jnp.float32),
        input_output_aliases={0: 0},
    )(quantized_half, q_b, inputs)

    indices = jnp.concatenate([idx_a, idx_b], axis=0).reshape(B, L)
    loss = (loss_a[0, 0] + loss_b[0, 0]) * jnp.float32(LOSS_SCALE)
    return quantized, loss, indices

# --- scband reference (transcript-rebuilt; emitter-appended) ---
"""Pipeline reference for scband-vector-quantizer-83580063580937 (READ-ONLY COPY).

The authoritative reference and input builder live on the scoring server;
editing this copy changes nothing except your own understanding.
"""

import jax, jax.numpy as jnp
import numpy as np

NUM_EMBEDDINGS = 8192
EMBEDDING_DIM = 256
COMMITMENT_COST = 0.25


def setup_inputs(seed: int = 0) -> dict:
    key = jax.random.key(seed)
    k1, k2 = jax.random.split(key)
    inputs = jax.random.normal(k1, (16, 256, 1024), dtype=jnp.float32)
    # codebook initialized uniform(-1/K, 1/K) like nn.Embedding init in the module
    codebook = jax.random.uniform(
        k2, (NUM_EMBEDDINGS, EMBEDDING_DIM), dtype=jnp.float32,
        minval=-1.0 / NUM_EMBEDDINGS, maxval=1.0 / NUM_EMBEDDINGS)
    return {"inputs": inputs, "codebook": codebook}


def reference(inputs, codebook):
    # inputs: [B, D, L] -> permute to [B, L, D]
    inputs_permuted = jnp.transpose(inputs, (0, 2, 1))
    B, L, D = inputs_permuted.shape
    flat_input = inputs_permuted.reshape(-1, D)
    distances = (
        jnp.sum(flat_input ** 2, axis=1, keepdims=True)
        + jnp.sum(codebook ** 2, axis=1)
        - 2.0 * jnp.matmul(flat_input, codebook.T)
    )
    encoding_indices = jnp.argmin(distances, axis=1)
    quantized_flat = jnp.take(codebook, encoding_indices, axis=0)
    quantized = quantized_flat.reshape(inputs_permuted.shape)
    e_latent_loss = jnp.mean((jax.lax.stop_gradient(quantized) - inputs_permuted) ** 2)
    q_latent_loss = jnp.mean((quantized - jax.lax.stop_gradient(inputs_permuted)) ** 2)
    loss = q_latent_loss + COMMITMENT_COST * e_latent_loss
    quantized = inputs_permuted + jax.lax.stop_gradient(quantized - inputs_permuted)
    quantized = jnp.transpose(quantized, (0, 2, 1))
    final_indices = encoding_indices.reshape(B, L)
    return (quantized, loss, final_indices)

if __name__ == "__main__":
    import jax
    _d = setup_inputs()
    print(jax.jit(kernel)(*tuple(_d.values())))

</pallas_src>

<mosaic_0001>
#map = affine_map<(d0, d1) -> (0, 0)>
#map1 = affine_map<(d0, d1) -> (0)>
module attributes {stable_mosaic.version = 14 : i64} {
  func.func @_sc_gather_body(%arg0: i32, %arg1: i32, %arg2: memref<8192x256xf32, #tpu.memory_space<hbm>>, %arg3: memref<8192xi32, #tpu.memory_space<hbm>>, %arg4: memref<8192x256xf32, #tpu.memory_space<hbm>>, %arg5: memref<128xi32, #tpu.memory_space<vmem>>, %arg6: memref<128x256xf32, #tpu.memory_space<vmem>>, %arg7: memref<!tpu.dma_semaphore, #tpu.memory_space<semaphore_mem>>) attributes {dimension_semantics = [#tpu.dimension_semantics<core_parallel>, #tpu.dimension_semantics<subcore_parallel>], iteration_bounds = array<i64: 2, 16>, scalar_prefetch = 0 : i64, scratch_operands = 3 : i64, tpu.core_type = #tpu.core_type<sc_vector_subcore>, window_params = [{transform_indices = #map}, {transform_indices = #map1}, {transform_indices = #map}]} {
    %mul3A = arith.constant 2 : i32
    %mul3A_0 = arith.muli %arg1, %mul3A : i32
    %add3A = arith.addi %mul3A_0, %arg0 : i32
    %mul3A_1 = arith.constant 256 : i32
    %mul3A_2 = arith.muli %add3A, %mul3A_1 : i32
    %scan3A = arith.constant 0 : i32
    %scan3A_3 = arith.constant 0 : i32
    %scan3A_4 = arith.constant 2 : i32
    %scan3A_5 = arith.addi %scan3A_3, %scan3A_4 : i32
    %scan3A_6 = arith.constant 1 : i32
    scf.for %scan3A_8 = %scan3A_3 to %scan3A_5 step %scan3A_6  : i32 {
      %mul3A_9 = arith.constant 128 : i32
      %mul3A_10 = arith.muli %scan3A_8, %mul3A_9 : i32
      %add3A_11 = arith.addi %mul3A_2, %mul3A_10 : i32
      "tpu.region"() ({
        %run_scoped3A = tpu.sem_alloc : memref<!tpu.dma_semaphore, #tpu.memory_space<semaphore_mem>>
        %dma_start3A_16 = tpu.memref_slice %arg3[%add3A_11] : memref<8192xi32, #tpu.memory_space<hbm>> -> memref<128xi32, #tpu.memory_space<hbm>>
        %dma_start3A_17 = tpu.memref_slice %arg3[%add3A_11] : memref<8192xi32, #tpu.memory_space<hbm>> -> memref<128xi32, #tpu.memory_space<hbm>>
        tpu.enqueue_dma source(%dma_start3A_17 : memref<128xi32, #tpu.memory_space<hbm>>) target(%arg5 : memref<128xi32, #tpu.memory_space<vmem>>) target_semaphore(%run_scoped3A : memref<!tpu.dma_semaphore, #tpu.memory_space<semaphore_mem>>)
        %dma_wait3A_18 = tpu.memref_slice %arg3[%add3A_11] : memref<8192xi32, #tpu.memory_space<hbm>> -> memref<128xi32, #tpu.memory_space<hbm>>
        %dma_wait3A_19 = tpu.memref_slice %arg3[%add3A_11] : memref<8192xi32, #tpu.memory_space<hbm>> -> memref<128xi32, #tpu.memory_space<hbm>>
        tpu.wait_dma2 semaphore(%run_scoped3A : memref<!tpu.dma_semaphore, #tpu.memory_space<semaphore_mem>>) src(%dma_wait3A_19 : memref<128xi32, #tpu.memory_space<hbm>>) dst(%arg5 : memref<128xi32, #tpu.memory_space<vmem>>)
        tpu.yield
      }) : () -> ()
      %dma_start3A = arith.constant 0 : i32
      %dma_start3A_12 = arith.constant 0 : i32
      %dma_start3A_13 = tpu.memref_slice %arg2[%dma_start3A, %dma_start3A_12] : memref<8192x256xf32, #tpu.memory_space<hbm>> -> memref<8192x256xf32, #tpu.memory_space<hbm>>
      tpu.enqueue_indirect_dma source(%dma_start3A_13 : memref<8192x256xf32, #tpu.memory_space<hbm>>) target(%arg6 : memref<128x256xf32, #tpu.memory_space<vmem>>) offsets(%arg5 : memref<128xi32, #tpu.memory_space<vmem>>) semaphore(%arg7 : memref<!tpu.dma_semaphore, #tpu.memory_space<semaphore_mem>>)
      %dma_wait3A = arith.constant 0 : i32
      %dma_wait3A_14 = arith.constant 0 : i32
      %dma_wait3A_15 = tpu.memref_slice %arg2[%dma_wait3A, %dma_wait3A_14] : memref<8192x256xf32, #tpu.memory_space<hbm>> -> memref<8192x256xf32, #tpu.memory_space<hbm>>
      tpu.wait_indirect_dma semaphore(%arg7 : memref<!tpu.dma_semaphore, #tpu.memory_space<semaphore_mem>>) src(%dma_wait3A_15 : memref<8192x256xf32, #tpu.memory_space<hbm>>) dst(%arg6 : memref<128x256xf32, #tpu.memory_space<vmem>>)
      "tpu.region"() ({
        %run_scoped3A = tpu.sem_alloc : memref<!tpu.dma_semaphore, #tpu.memory_space<semaphore_mem>>
        %dma_start3A_16 = arith.constant 0 : i32
        %dma_start3A_17 = tpu.memref_slice %arg4[%add3A_11, %dma_start3A_16] : memref<8192x256xf32, #tpu.memory_space<hbm>> -> memref<128x256xf32, #tpu.memory_space<hbm>>
        %dma_start3A_18 = arith.constant 0 : i32
        %dma_start3A_19 = tpu.memref_slice %arg4[%add3A_11, %dma_start3A_18] : memref<8192x256xf32, #tpu.memory_space<hbm>> -> memref<128x256xf32, #tpu.memory_space<hbm>>
        tpu.enqueue_dma source(%arg6 : memref<128x256xf32, #tpu.memory_space<vmem>>) target(%dma_start3A_19 : memref<128x256xf32, #tpu.memory_space<hbm>>) target_semaphore(%run_scoped3A : memref<!tpu.dma_semaphore, #tpu.memory_space<semaphore_mem>>)
        %dma_wait3A_20 = arith.constant 0 : i32
        %dma_wait3A_21 = tpu.memref_slice %arg4[%add3A_11, %dma_wait3A_20] : memref<8192x256xf32, #tpu.memory_space<hbm>> -> memref<128x256xf32, #tpu.memory_space<hbm>>
        %dma_wait3A_22 = arith.constant 0 : i32
        %dma_wait3A_23 = tpu.memref_slice %arg4[%add3A_11, %dma_wait3A_22] : memref<8192x256xf32, #tpu.memory_space<hbm>> -> memref<128x256xf32, #tpu.memory_space<hbm>>
        tpu.wait_dma2 semaphore(%run_scoped3A : memref<!tpu.dma_semaphore, #tpu.memory_space<semaphore_mem>>) src(%arg6 : memref<128x256xf32, #tpu.memory_space<vmem>>) dst(%dma_wait3A_23 : memref<128x256xf32, #tpu.memory_space<hbm>>)
        tpu.yield
      }) : () -> ()
    }
    %scan3A_7 = arith.constant 2 : i32
    return
  }
}

#map = affine_map<(d0, d1) -> (0, 0)>
#map1 = affine_map<(d0, d1) -> (0)>
module attributes {stable_mosaic.version = 14 : i64} {
  func.func @_sc_gather_body(%arg0: i32, %arg1: i32, %arg2: memref<8192x256xf32, #tpu.memory_space<hbm>>, %arg3: memref<8192xi32, #tpu.memory_space<hbm>>, %arg4: memref<8192x256xf32, #tpu.memory_space<hbm>>, %arg5: memref<128xi32, #tpu.memory_space<vmem>>, %arg6: memref<128x256xf32, #tpu.memory_space<vmem>>, %arg7: memref<!tpu.dma_semaphore, #tpu.memory_space<semaphore_mem>>) attributes {dimension_semantics = [#tpu.dimension_semantics<core_parallel>, #tpu.dimension_semantics<subcore_parallel>], iteration_bounds = array<i64: 2, 16>, scalar_prefetch = 0 : i64, scratch_operands = 3 : i64, tpu.core_type = #tpu.core_type<sc_vector_subcore>, window_params = [{transform_indices = #map}, {transform_indices = #map1}, {transform_indices = #map}]} {
    %mul3A = arith.constant 2 : i32
    %mul3A_0 = arith.muli %arg1, %mul3A : i32
    %add3A = arith.addi %mul3A_0, %arg0 : i32
    %mul3A_1 = arith.constant 256 : i32
    %mul3A_2 = arith.muli %add3A, %mul3A_1 : i32
    %scan3A = arith.constant 0 : i32
    %scan3A_3 = arith.constant 0 : i32
    %scan3A_4 = arith.constant 2 : i32
    %scan3A_5 = arith.addi %scan3A_3, %scan3A_4 : i32
    %scan3A_6 = arith.constant 1 : i32
    scf.for %scan3A_8 = %scan3A_3 to %scan3A_5 step %scan3A_6  : i32 {
      %mul3A_9 = arith.constant 128 : i32
      %mul3A_10 = arith.muli %scan3A_8, %mul3A_9 : i32
      %add3A_11 = arith.addi %mul3A_2, %mul3A_10 : i32
      "tpu.region"() ({
        %run_scoped3A = tpu.sem_alloc : memref<!tpu.dma_semaphore, #tpu.memory_space<semaphore_mem>>
        %dma_start3A_16 = tpu.memref_slice %arg3[%add3A_11] : memref<8192xi32, #tpu.memory_space<hbm>> -> memref<128xi32, #tpu.memory_space<hbm>>
        %dma_start3A_17 = tpu.memref_slice %arg3[%add3A_11] : memref<8192xi32, #tpu.memory_space<hbm>> -> memref<128xi32, #tpu.memory_space<hbm>>
        tpu.enqueue_dma source(%dma_start3A_17 : memref<128xi32, #tpu.memory_space<hbm>>) target(%arg5 : memref<128xi32, #tpu.memory_space<vmem>>) target_semaphore(%run_scoped3A : memref<!tpu.dma_semaphore, #tpu.memory_space<semaphore_mem>>)
        %dma_wait3A_18 = tpu.memref_slice %arg3[%add3A_11] : memref<8192xi32, #tpu.memory_space<hbm>> -> memref<128xi32, #tpu.memory_space<hbm>>
        %dma_wait3A_19 = tpu.memref_slice %arg3[%add3A_11] : memref<8192xi32, #tpu.memory_space<hbm>> -> memref<128xi32, #tpu.memory_space<hbm>>
        tpu.wait_dma2 semaphore(%run_scoped3A : memref<!tpu.dma_semaphore, #tpu.memory_space<semaphore_mem>>) src(%dma_wait3A_19 : memref<128xi32, #tpu.memory_space<hbm>>) dst(%arg5 : memref<128xi32, #tpu.memory_space<vmem>>)
        tpu.yield
      }) : () -> ()
      %dma_start3A = arith.constant 0 : i32
      %dma_start3A_12 = arith.constant 0 : i32
      %dma_start3A_13 = tpu.memref_slice %arg2[%dma_start3A, %dma_start3A_12] : memref<8192x256xf32, #tpu.memory_space<hbm>> -> memref<8192x256xf32, #tpu.memory_space<hbm>>
      tpu.enqueue_indirect_dma source(%dma_start3A_13 : memref<8192x256xf32, #tpu.memory_space<hbm>>) target(%arg6 : memref<128x256xf32, #tpu.memory_space<vmem>>) offsets(%arg5 : memref<128xi32, #tpu.memory_space<vmem>>) semaphore(%arg7 : memref<!tpu.dma_semaphore, #tpu.memory_space<semaphore_mem>>)
      %dma_wait3A = arith.constant 0 : i32
      %dma_wait3A_14 = arith.constant 0 : i32
      %dma_wait3A_15 = tpu.memref_slice %arg2[%dma_wait3A, %dma_wait3A_14] : memref<8192x256xf32, #tpu.memory_space<hbm>> -> memref<8192x256xf32, #tpu.memory_space<hbm>>
      tpu.wait_indirect_dma semaphore(%arg7 : memref<!tpu.dma_semaphore, #tpu.memory_space<semaphore_mem>>) src(%dma_wait3A_15 : memref<8192x256xf32, #tpu.memory_space<hbm>>) dst(%arg6 : memref<128x256xf32, #tpu.memory_space<vmem>>)
      "tpu.region"() ({
        %run_scoped3A = tpu.sem_alloc : memref<!tpu.dma_semaphore, #tpu.memory_space<semaphore_mem>>
        %dma_start3A_16 = arith.constant 0 : i32
        %dma_start3A_17 = tpu.memref_slice %arg4[%add3A_11, %dma_start3A_16] : memref<8192x256xf32, #tpu.memory_space<hbm>> -> memref<128x256xf32, #tpu.memory_space<hbm>>
        %dma_start3A_18 = arith.constant 0 : i32
        %dma_start3A_19 = tpu.memref_slice %arg4[%add3A_11, %dma_start3A_18] : memref<8192x256xf32, #tpu.memory_space<hbm>> -> memref<128x256xf32, #tpu.memory_space<hbm>>
        tpu.enqueue_dma source(%arg6 : memref<128x256xf32, #tpu.memory_space<vmem>>) target(%dma_start3A_19 : memref<128x256xf32, #tpu.memory_space<hbm>>) target_semaphore(%run_scoped3A : memref<!tpu.dma_semaphore, #tpu.memory_space<semaphore_mem>>)
        %dma_wait3A_20 = arith.constant 0 : i32
        %dma_wait3A_21 = tpu.memref_slice %arg4[%add3A_11, %dma_wait3A_20] : memref<8192x256xf32, #tpu.memory_space<hbm>> -> memref<128x256xf32, #tpu.memory_space<hbm>>
        %dma_wait3A_22 = arith.constant 0 : i32
        %dma_wait3A_23 = tpu.memref_slice %arg4[%add3A_11, %dma_wait3A_22] : memref<8192x256xf32, #tpu.memory_space<hbm>> -> memref<128x256xf32, #tpu.memory_space<hbm>>
        tpu.wait_dma2 semaphore(%run_scoped3A : memref<!tpu.dma_semaphore, #tpu.memory_space<semaphore_mem>>) src(%arg6 : memref<128x256xf32, #tpu.memory_space<vmem>>) dst(%dma_wait3A_23 : memref<128x256xf32, #tpu.memory_space<hbm>>)
        tpu.yield
      }) : () -> ()
    }
    %scan3A_7 = arith.constant 2 : i32
    return
  }
}

module attributes {stable_mosaic.version = 14 : i64} {
  func.func @_dist_argmin_body(%arg0: i32, %arg1: memref<1x256x1024xf32, #tpu.memory_space<vmem>>, %arg2: memref<8192x256xbf16, #tpu.memory_space<vmem>>, %arg3: memref<1x1x1024xf32, #tpu.memory_space<vmem>>, %arg4: memref<1x8192xf32, #tpu.memory_space<vmem>>, %arg5: memref<1x1x1024xi32, #tpu.memory_space<vmem>>, %arg6: memref<1x1xf32, #tpu.memory_space<smem>>) attributes {dimension_semantics = [#tpu.dimension_semantics<arbitrary>], iteration_bounds = array<i64: 8>, scalar_prefetch = 0 : i64, scratch_operands = 0 : i64, tpu.core_type = #tpu.core_type<tc>, window_params = [{transform_indices = @transform_0, window_bounds = array<i64: 1, 256, 1024>}, {pipeline_mode = #tpu.pipeline_mode<synchronous>, transform_indices = @transform_1, window_bounds = array<i64: 8192, 256>}, {transform_indices = @transform_2, window_bounds = array<i64: 1, 1, 1024>}, {pipeline_mode = #tpu.pipeline_mode<synchronous>, transform_indices = @transform_3, window_bounds = array<i64: 1, 8192>}, {transform_indices = @transform_4, window_bounds = array<i64: 1, 1, 1024>}, {transform_indices = @transform_5, window_bounds = array<i64: 1, 1>}]} {
    %get3A = arith.constant 0 : index
    %get3A_0 = arith.constant 0 : index
    %get3A_1 = arith.constant 0 : index
    %get3A_2 = vector.load %arg1[%get3A, %get3A_0, %get3A_1] : memref<1x256x1024xf32, #tpu.memory_space<vmem>>, vector<1x256x1024xf32>
    %get3A_3 = vector.shape_cast %get3A_2 : vector<1x256x1024xf32> to vector<256x1024xf32>
    %convert_element_type3A = arith.truncf %get3A_3 : vector<256x1024xf32> to vector<256x1024xbf16>
    %get3A_4 = arith.constant 0 : index
    %get3A_5 = arith.constant 0 : index
    %get3A_6 = arith.constant 0 : index
    %get3A_7 = vector.load %arg3[%get3A_4, %get3A_5, %get3A_6] : memref<1x1x1024xf32, #tpu.memory_space<vmem>>, vector<1x1x1024xf32>
    %get3A_8 = vector.shape_cast %get3A_7 : vector<1x1x1024xf32> to vector<1024xf32>
    %broadcast_in_dim3A = arith.constant 0x7F80 : bf16
    %broadcast_in_dim3A_9 = vector.broadcast %broadcast_in_dim3A : bf16 to vector<1024xbf16>
    %broadcast_in_dim3A_10 = arith.constant 0x7F800000 : f32
    %broadcast_in_dim3A_11 = vector.broadcast %broadcast_in_dim3A_10 : f32 to vector<1024xf32>
    %broadcast_in_dim3A_12 = arith.constant 0 : i32
    %broadcast_in_dim3A_13 = vector.broadcast %broadcast_in_dim3A_12 : i32 to vector<1024xi32>
    %iota3A = tpu.iota {dimensions = array<i32: 0>} : vector<2736x1024xi32>
    %convert_element_type3A_14 = arith.sitofp %iota3A : vector<2736x1024xi32> to vector<2736x1024xf32>
    %get3A_15 = arith.constant 0 : index
    %get3A_16 = arith.constant 0 : index
    %get3A_17 = vector.load %arg2[%get3A_15, %get3A_16] : memref<8192x256xbf16, #tpu.memory_space<vmem>>, vector<2736x256xbf16>
    %get3A_18 = arith.constant 0 : index
    %get3A_19 = arith.constant 0 : index
    %get3A_20 = vector.load %arg4[%get3A_18, %get3A_19] : memref<1x8192xf32, #tpu.memory_space<vmem>>, vector<1x2736xf32>
    %get3A_21 = vector.shape_cast %get3A_20 : vector<1x2736xf32> to vector<2736xf32>
    %dot_general3A = arith.constant dense<0.000000e+00> : vector<2736x1024xf32>
    %dot_general3A_22 = tpu.matmul %get3A_17, %convert_element_type3A, %dot_general3A {dimension_numbers = #tpu.dot_dimension_numbers<[1], [0], [0], [1], [0, 0, 1, 1], [], []>, transpose_lhs_hint = false} : vector<2736x256xbf16>, vector<256x1024xbf16>, vector<2736x1024xf32> -> vector<2736x1024xf32>
    %broadcast_in_dim3A_23 = vector.shape_cast %get3A_8 : vector<1024xf32> to vector<1x1024xf32>
    %broadcast_in_dim3A_24 = vector.shape_cast %get3A_21 : vector<2736xf32> to vector<2736x1xf32>
    %add3A = vector.broadcast %broadcast_in_dim3A_23 : vector<1x1024xf32> to vector<2736x1024xf32>
    %add3A_25 = vector.broadcast %broadcast_in_dim3A_24 : vector<2736x1xf32> to vector<2736x1024xf32>
    %add3A_26 = arith.addf %add3A, %add3A_25 : vector<2736x1024xf32>
    %sub3A = arith.subf %add3A_26, %dot_general3A_22 : vector<2736x1024xf32>
    %reduce_min3A = arith.constant dense<0x7F800000> : vector<1024xf32>
    %reduce_min3A_27 = vector.multi_reduction <minimumf>, %sub3A, %reduce_min3A [0] : vector<2736x1024xf32> to vector<1024xf32>
    %broadcast_in_dim3A_28 = vector.shape_cast %reduce_min3A_27 : vector<1024xf32> to vector<1x1024xf32>
    %eq3A = vector.broadcast %broadcast_in_dim3A_28 : vector<1x1024xf32> to vector<2736x1024xf32>
    %eq3A_29 = arith.cmpf oeq, %sub3A, %eq3A : vector<2736x1024xf32>
    %jit3A = arith.constant 8.192000e+03 : f32
    %broadcast_in_dim3A_30 = vector.broadcast %jit3A : f32 to vector<2736x1024xf32>
    %select_n3A = arith.select %eq3A_29, %convert_element_type3A_14, %broadcast_in_dim3A_30 : vector<2736x1024xi1>, vector<2736x1024xf32>
    %reduce_min3A_31 = arith.constant dense<0x7F800000> : vector<1024xf32>
    %reduce_min3A_32 = vector.multi_reduction <minimumf>, %select_n3A, %reduce_min3A_31 [0] : vector<2736x1024xf32> to vector<1024xf32>
    %convert_element_type3A_33 = arith.fptosi %reduce_min3A_32 : vector<1024xf32> to vector<1024xi32>
    %add3A_34 = arith.constant 0 : i32
    %add3A_35 = vector.broadcast %add3A_34 : i32 to vector<1024xi32>
    %add3A_36 = arith.addi %convert_element_type3A_33, %add3A_35 : vector<1024xi32>
    %convert_element_type3A_37 = arith.extf %broadcast_in_dim3A_9 : vector<1024xbf16> to vector<1024xf32>
    %lt3A = arith.cmpf olt, %convert_element_type3A_37, %reduce_min3A_27 : vector<1024xf32>
    %ne3A = arith.cmpf one, %convert_element_type3A_37, %convert_element_type3A_37 : vector<1024xf32>
    %or3A = arith.ori %lt3A, %ne3A : vector<1024xi1>
    %eq3A_38 = arith.cmpf oeq, %convert_element_type3A_37, %reduce_min3A_27 : vector<1024xf32>
    %le3A = arith.cmpf ole, %broadcast_in_dim3A_11, %reduce_min3A_27 : vector<1024xf32>
    %and3A = arith.andi %eq3A_38, %le3A : vector<1024xi1>
    %or3A_39 = arith.ori %or3A, %and3A : vector<1024xi1>
    %select_n3A_40 = arith.select %or3A_39, %broadcast_in_dim3A_13, %add3A_36 : vector<1024xi1>, vector<1024xi32>
    %select_n3A_41 = arith.select %or3A_39, %broadcast_in_dim3A_11, %reduce_min3A_27 : vector<1024xi1>, vector<1024xf32>
    %convert_element_type3A_42 = arith.truncf %reduce_min3A_27 : vector<1024xf32> to vector<1024xbf16>
    %select_n3A_43 = arith.select %or3A_39, %broadcast_in_dim3A_9, %convert_element_type3A_42 : vector<1024xi1>, vector<1024xbf16>
    %get3A_44 = arith.constant 2736 : index
    %get3A_45 = arith.constant 0 : index
    %get3A_46 = vector.load %arg2[%get3A_44, %get3A_45] : memref<8192x256xbf16, #tpu.memory_space<vmem>>, vector<2736x256xbf16>
    %get3A_47 = arith.constant 0 : index
    %get3A_48 = arith.constant 2736 : index
    %get3A_49 = vector.load %arg4[%get3A_47, %get3A_48] : memref<1x8192xf32, #tpu.memory_space<vmem>>, vector<1x2736xf32>
    %get3A_50 = vector.shape_cast %get3A_49 : vector<1x2736xf32> to vector<2736xf32>
    %dot_general3A_51 = arith.constant dense<0.000000e+00> : vector<2736x1024xf32>
    %dot_general3A_52 = tpu.matmul %get3A_46, %convert_element_type3A, %dot_general3A_51 {dimension_numbers = #tpu.dot_dimension_numbers<[1], [0], [0], [1], [0, 0, 1, 1], [], []>, transpose_lhs_hint = false} : vector<2736x256xbf16>, vector<256x1024xbf16>, vector<2736x1024xf32> -> vector<2736x1024xf32>
    %broadcast_in_dim3A_53 = vector.shape_cast %get3A_8 : vector<1024xf32> to vector<1x1024xf32>
    %broadcast_in_dim3A_54 = vector.shape_cast %get3A_50 : vector<2736xf32> to vector<2736x1xf32>
    %add3A_55 = vector.broadcast %broadcast_in_dim3A_53 : vector<1x1024xf32> to vector<2736x1024xf32>
    %add3A_56 = vector.broadcast %broadcast_in_dim3A_54 : vector<2736x1xf32> to vector<2736x1024xf32>
    %add3A_57 = arith.addf %add3A_55, %add3A_56 : vector<2736x1024xf32>
    %sub3A_58 = arith.subf %add3A_57, %dot_general3A_52 : vector<2736x1024xf32>
    %reduce_min3A_59 = arith.constant dense<0x7F800000> : vector<1024xf32>
    %reduce_min3A_60 = vector.multi_reduction <minimumf>, %sub3A_58, %reduce_min3A_59 [0] : vector<2736x1024xf32> to vector<1024xf32>
    %broadcast_in_dim3A_61 = vector.shape_cast %reduce_min3A_60 : vector<1024xf32> to vector<1x1024xf32>
    %eq3A_62 = vector.broadcast %broadcast_in_dim3A_61 : vector<1x1024xf32> to vector<2736x1024xf32>
    %eq3A_63 = arith.cmpf oeq, %sub3A_58, %eq3A_62 : vector<2736x1024xf32>
    %jit3A_64 = arith.constant 8.192000e+03 : f32
    %broadcast_in_dim3A_65 = vector.broadcast %jit3A_64 : f32 to vector<2736x1024xf32>
    %select_n3A_66 = arith.select %eq3A_63, %convert_element_type3A_14, %broadcast_in_dim3A_65 : vector<2736x1024xi1>, vector<2736x1024xf32>
    %reduce_min3A_67 = arith.constant dense<0x7F800000> : vector<1024xf32>
    %reduce_min3A_68 = vector.multi_reduction <minimumf>, %select_n3A_66, %reduce_min3A_67 [0] : vector<2736x1024xf32> to vector<1024xf32>
    %convert_element_type3A_69 = arith.fptosi %reduce_min3A_68 : vector<1024xf32> to vector<1024xi32>
    %add3A_70 = arith.constant 2736 : i32
    %add3A_71 = vector.broadcast %add3A_70 : i32 to vector<1024xi32>
    %add3A_72 = arith.addi %convert_element_type3A_69, %add3A_71 : vector<1024xi32>
    %convert_element_type3A_73 = arith.extf %select_n3A_43 : vector<1024xbf16> to vector<1024xf32>
    %lt3A_74 = arith.cmpf olt, %convert_element_type3A_73, %reduce_min3A_60 : vector<1024xf32>
    %ne3A_75 = arith.cmpf one, %convert_element_type3A_73, %convert_element_type3A_73 : vector<1024xf32>
    %or3A_76 = arith.ori %lt3A_74, %ne3A_75 : vector<1024xi1>
    %eq3A_77 = arith.cmpf oeq, %convert_element_type3A_73, %reduce_min3A_60 : vector<1024xf32>
    %le3A_78 = arith.cmpf ole, %select_n3A_41, %reduce_min3A_60 : vector<1024xf32>
    %and3A_79 = arith.andi %eq3A_77, %le3A_78 : vector<1024xi1>
    %or3A_80 = arith.ori %or3A_76, %and3A_79 : vector<1024xi1>
    %select_n3A_81 = arith.select %or3A_80, %select_n3A_40, %add3A_72 : vector<1024xi1>, vector<1024xi32>
    %select_n3A_82 = arith.select %or3A_80, %select_n3A_41, %reduce_min3A_60 : vector<1024xi1>, vector<1024xf32>
    %convert_element_type3A_83 = arith.truncf %reduce_min3A_60 : vector<1024xf32> to vector<1024xbf16>
    %select_n3A_84 = arith.select %or3A_80, %select_n3A_43, %convert_element_type3A_83 : vector<1024xi1>, vector<1024xbf16>
    %get3A_85 = arith.constant 5472 : index
    %get3A_86 = arith.constant 0 : index
    %get3A_87 = vector.load %arg2[%get3A_85, %get3A_86] : memref<8192x256xbf16, #tpu.memory_space<vmem>>, vector<2720x256xbf16>
    %get3A_88 = arith.constant 0 : index
    %get3A_89 = arith.constant 5472 : index
    %get3A_90 = vector.load %arg4[%get3A_88, %get3A_89] : memref<1x8192xf32, #tpu.memory_space<vmem>>, vector<1x2720xf32>
    %get3A_91 = vector.shape_cast %get3A_90 : vector<1x2720xf32> to vector<2720xf32>
    %dot_general3A_92 = arith.constant dense<0.000000e+00> : vector<2720x1024xf32>
    %dot_general3A_93 = tpu.matmul %get3A_87, %convert_element_type3A, %dot_general3A_92 {dimension_numbers = #tpu.dot_dimension_numbers<[1], [0], [0], [1], [0, 0, 1, 1], [], []>, transpose_lhs_hint = false} : vector<2720x256xbf16>, vector<256x1024xbf16>, vector<2720x1024xf32> -> vector<2720x1024xf32>
    %broadcast_in_dim3A_94 = vector.shape_cast %get3A_8 : vector<1024xf32> to vector<1x1024xf32>
    %broadcast_in_dim3A_95 = vector.shape_cast %get3A_91 : vector<2720xf32> to vector<2720x1xf32>
    %add3A_96 = vector.broadcast %broadcast_in_dim3A_94 : vector<1x1024xf32> to vector<2720x1024xf32>
    %add3A_97 = vector.broadcast %broadcast_in_dim3A_95 : vector<2720x1xf32> to vector<2720x1024xf32>
    %add3A_98 = arith.addf %add3A_96, %add3A_97 : vector<2720x1024xf32>
    %sub3A_99 = arith.subf %add3A_98, %dot_general3A_93 : vector<2720x1024xf32>
    %reduce_min3A_100 = arith.constant dense<0x7F800000> : vector<1024xf32>
    %reduce_min3A_101 = vector.multi_reduction <minimumf>, %sub3A_99, %reduce_min3A_100 [0] : vector<2720x1024xf32> to vector<1024xf32>
    %slice3A = vector.extract_strided_slice %convert_element_type3A_14 {offsets = [0, 0], sizes = [2720, 1024], strides = [1, 1]} : vector<2736x1024xf32> to vector<2720x1024xf32>
    %broadcast_in_dim3A_102 = vector.shape_cast %reduce_min3A_101 : vector<1024xf32> to vector<1x1024xf32>
    %eq3A_103 = vector.broadcast %broadcast_in_dim3A_102 : vector<1x1024xf32> to vector<2720x1024xf32>
    %eq3A_104 = arith.cmpf oeq, %sub3A_99, %eq3A_103 : vector<2720x1024xf32>
    %jit3A_105 = arith.constant 8.192000e+03 : f32
    %broadcast_in_dim3A_106 = vector.broadcast %jit3A_105 : f32 to vector<2720x1024xf32>
    %select_n3A_107 = arith.select %eq3A_104, %slice3A, %broadcast_in_dim3A_106 : vector<2720x1024xi1>, vector<2720x1024xf32>
    %reduce_min3A_108 = arith.constant dense<0x7F800000> : vector<1024xf32>
    %reduce_min3A_109 = vector.multi_reduction <minimumf>, %select_n3A_107, %reduce_min3A_108 [0] : vector<2720x1024xf32> to vector<1024xf32>
    %convert_element_type3A_110 = arith.fptosi %reduce_min3A_109 : vector<1024xf32> to vector<1024xi32>
    %add3A_111 = arith.constant 5472 : i32
    %add3A_112 = vector.broadcast %add3A_111 : i32 to vector<1024xi32>
    %add3A_113 = arith.addi %convert_element_type3A_110, %add3A_112 : vector<1024xi32>
    %convert_element_type3A_114 = arith.extf %select_n3A_84 : vector<1024xbf16> to vector<1024xf32>
    %lt3A_115 = arith.cmpf olt, %convert_element_type3A_114, %reduce_min3A_101 : vector<1024xf32>
    %ne3A_116 = arith.cmpf one, %convert_element_type3A_114, %convert_element_type3A_114 : vector<1024xf32>
    %or3A_117 = arith.ori %lt3A_115, %ne3A_116 : vector<1024xi1>
    %eq3A_118 = arith.cmpf oeq, %convert_element_type3A_114, %reduce_min3A_101 : vector<1024xf32>
    %le3A_119 = arith.cmpf ole, %select_n3A_82, %reduce_min3A_101 : vector<1024xf32>
    %and3A_120 = arith.andi %eq3A_118, %le3A_119 : vector<1024xi1>
    %or3A_121 = arith.ori %or3A_117, %and3A_120 : vector<1024xi1>
    %select_n3A_122 = arith.select %or3A_121, %select_n3A_81, %add3A_113 : vector<1024xi1>, vector<1024xi32>
    %select_n3A_123 = arith.select %or3A_121, %select_n3A_82, %reduce_min3A_101 : vector<1024xi1>, vector<1024xf32>
    %swap3A = arith.constant 0 : index
    %swap3A_124 = arith.constant 0 : index
    %swap3A_125 = arith.constant 0 : index
    %swap3A_126 = vector.load %arg5[%swap3A, %swap3A_124, %swap3A_125] : memref<1x1x1024xi32, #tpu.memory_space<vmem>>, vector<1x1x1024xi32>
    %swap3A_127 = vector.shape_cast %swap3A_126 : vector<1x1x1024xi32> to vector<1024xi32>
    %swap3A_128 = vector.shape_cast %select_n3A_122 : vector<1024xi32> to vector<1x1x1024xi32>
    tpu.vector_store %arg5[%swap3A, %swap3A_124, %swap3A_125], %swap3A_128 {strides = array<i32>} : memref<1x1x1024xi32, #tpu.memory_space<vmem>>, vector<1x1x1024xi32>,
    %eq3A_129 = arith.constant 0 : i32
    %eq3A_130 = arith.cmpi eq, %arg0, %eq3A_129 : i32
    %convert_element_type3A_131 = arith.extui %eq3A_130 : i1 to i32
    %cond3A = arith.constant 0 : i32
    %cond3A_132 = arith.cmpi ne, %convert_element_type3A_131, %cond3A : i32
    scf.if %cond3A_132 {
      %swap3A_144 = arith.constant 0.000000e+00 : f32
      %swap3A_145 = arith.constant 0 : index
      %swap3A_146 = arith.constant 0 : index
      %swap3A_147 = memref.load %arg6[%swap3A_145, %swap3A_146] : memref<1x1xf32, #tpu.memory_space<smem>>
      memref.store %swap3A_144, %arg6[%swap3A_145, %swap3A_146] : memref<1x1xf32, #tpu.memory_space<smem>>
    } else {
    }
    %get3A_133 = arith.constant 0 : index
    %get3A_134 = arith.constant 0 : index
    %get3A_135 = memref.load %arg6[%get3A_133, %get3A_134] : memref<1x1xf32, #tpu.memory_space<smem>>
    %reduce_sum3A = vector.shape_cast %select_n3A_123 : vector<1024xf32> to vector<1x1024xf32>
    %reduce_sum3A_136 = arith.constant dense<0.000000e+00> : vector<1xf32>
    %reduce_sum3A_137 = vector.multi_reduction <add>, %reduce_sum3A, %reduce_sum3A_136 [1] : vector<1x1024xf32> to vector<1xf32>
    %reduce_sum3A_138 = vector.shape_cast %reduce_sum3A_137 : vector<1xf32> to vector<1x1xf32>
    %reduce_sum3A_139 = vector.extract %reduce_sum3A_138[0, 0] : f32 from vector<1x1xf32>
    %add3A_140 = arith.addf %get3A_135, %reduce_sum3A_139 : f32
    %swap3A_141 = arith.constant 0 : index
    %swap3A_142 = arith.constant 0 : index
    %swap3A_143 = memref.load %arg6[%swap3A_141, %swap3A_142] : memref<1x1xf32, #tpu.memory_space<smem>>
    memref.store %add3A_140, %arg6[%swap3A_141, %swap3A_142] : memref<1x1xf32, #tpu.memory_space<smem>>
    return
  }
  func.func @transform_0(%arg0: i32) -> (i32, i32, i32) {
    %add3A = arith.constant 0 : i32
    %add3A_0 = arith.addi %arg0, %add3A : i32
    %c0_i32 = arith.constant 0 : i32
    %c0_i32_1 = arith.constant 0 : i32
    %c0_i32_2 = arith.constant 0 : i32
    return %add3A_0, %c0_i32, %c0_i32_1 : i32, i32, i32
  }
  func.func @transform_1(%arg0: i32) -> (i32, i32) {
    %c0_i32 = arith.constant 0 : i32
    %c0_i32_0 = arith.constant 0 : i32
    %c0_i32_1 = arith.constant 0 : i32
    return %c0_i32, %c0_i32_0 : i32, i32
  }
  func.func @transform_2(%arg0: i32) -> (i32, i32, i32) {
    %add3A = arith.constant 0 : i32
    %add3A_0 = arith.addi %arg0, %add3A : i32
    %c0_i32 = arith.constant 0 : i32
    %c0_i32_1 = arith.constant 0 : i32
    %c0_i32_2 = arith.constant 0 : i32
    return %add3A_0, %c0_i32, %c0_i32_1 : i32, i32, i32
  }
  func.func @transform_3(%arg0: i32) -> (i32, i32) {
    %c0_i32 = arith.constant 0 : i32
    %c0_i32_0 = arith.constant 0 : i32
    %c0_i32_1 = arith.constant 0 : i32
    return %c0_i32, %c0_i32_0 : i32, i32
  }
  func.func @transform_4(%arg0: i32) -> (i32, i32, i32) {
    %c0_i32 = arith.constant 0 : i32
    %c0_i32_0 = arith.constant 0 : i32
    %c0_i32_1 = arith.constant 0 : i32
    return %arg0, %c0_i32, %c0_i32_0 : i32, i32, i32
  }
  func.func @transform_5(%arg0: i32) -> (i32, i32) {
    %c0_i32 = arith.constant 0 : i32
    %c0_i32_0 = arith.constant 0 : i32
    %c0_i32_1 = arith.constant 0 : i32
    return %c0_i32, %c0_i32_0 : i32, i32
  }
}

module attributes {stable_mosaic.version = 14 : i64} {
  func.func @_dist_argmin_body(%arg0: i32, %arg1: memref<1x256x1024xf32, #tpu.memory_space<vmem>>, %arg2: memref<8192x256xbf16, #tpu.memory_space<vmem>>, %arg3: memref<1x1x1024xf32, #tpu.memory_space<vmem>>, %arg4: memref<1x8192xf32, #tpu.memory_space<vmem>>, %arg5: memref<1x1x1024xi32, #tpu.memory_space<vmem>>, %arg6: memref<1x1xf32, #tpu.memory_space<smem>>) attributes {dimension_semantics = [#tpu.dimension_semantics<arbitrary>], iteration_bounds = array<i64: 8>, scalar_prefetch = 0 : i64, scratch_operands = 0 : i64, tpu.core_type = #tpu.core_type<tc>, window_params = [{transform_indices = @transform_0, window_bounds = array<i64: 1, 256, 1024>}, {pipeline_mode = #tpu.pipeline_mode<synchronous>, transform_indices = @transform_1, window_bounds = array<i64: 8192, 256>}, {transform_indices = @transform_2, window_bounds = array<i64: 1, 1, 1024>}, {pipeline_mode = #tpu.pipeline_mode<synchronous>, transform_indices = @transform_3, window_bounds = array<i64: 1, 8192>}, {transform_indices = @transform_4, window_bounds = array<i64: 1, 1, 1024>}, {transform_indices = @transform_5, window_bounds = array<i64: 1, 1>}]} {
    %get3A = arith.constant 0 : index
    %get3A_0 = arith.constant 0 : index
    %get3A_1 = arith.constant 0 : index
    %get3A_2 = vector.load %arg1[%get3A, %get3A_0, %get3A_1] : memref<1x256x1024xf32, #tpu.memory_space<vmem>>, vector<1x256x1024xf32>
    %get3A_3 = vector.shape_cast %get3A_2 : vector<1x256x1024xf32> to vector<256x1024xf32>
    %convert_element_type3A = arith.truncf %get3A_3 : vector<256x1024xf32> to vector<256x1024xbf16>
    %get3A_4 = arith.constant 0 : index
    %get3A_5 = arith.constant 0 : index
    %get3A_6 = arith.constant 0 : index
    %get3A_7 = vector.load %arg3[%get3A_4, %get3A_5, %get3A_6] : memref<1x1x1024xf32, #tpu.memory_space<vmem>>, vector<1x1x1024xf32>
    %get3A_8 = vector.shape_cast %get3A_7 : vector<1x1x1024xf32> to vector<1024xf32>
    %broadcast_in_dim3A = arith.constant 0x7F80 : bf16
    %broadcast_in_dim3A_9 = vector.broadcast %broadcast_in_dim3A : bf16 to vector<1024xbf16>
    %broadcast_in_dim3A_10 = arith.constant 0x7F800000 : f32
    %broadcast_in_dim3A_11 = vector.broadcast %broadcast_in_dim3A_10 : f32 to vector<1024xf32>
    %broadcast_in_dim3A_12 = arith.constant 0 : i32
    %broadcast_in_dim3A_13 = vector.broadcast %broadcast_in_dim3A_12 : i32 to vector<1024xi32>
    %iota3A = tpu.iota {dimensions = array<i32: 0>} : vector<2736x1024xi32>
    %convert_element_type3A_14 = arith.sitofp %iota3A : vector<2736x1024xi32> to vector<2736x1024xf32>
    %get3A_15 = arith.constant 0 : index
    %get3A_16 = arith.constant 0 : index
    %get3A_17 = vector.load %arg2[%get3A_15, %get3A_16] : memref<8192x256xbf16, #tpu.memory_space<vmem>>, vector<2736x256xbf16>
    %get3A_18 = arith.constant 0 : index
    %get3A_19 = arith.constant 0 : index
    %get3A_20 = vector.load %arg4[%get3A_18, %get3A_19] : memref<1x8192xf32, #tpu.memory_space<vmem>>, vector<1x2736xf32>
    %get3A_21 = vector.shape_cast %get3A_20 : vector<1x2736xf32> to vector<2736xf32>
    %dot_general3A = arith.constant dense<0.000000e+00> : vector<2736x1024xf32>
    %dot_general3A_22 = tpu.matmul %get3A_17, %convert_element_type3A, %dot_general3A {dimension_numbers = #tpu.dot_dimension_numbers<[1], [0], [0], [1], [0, 0, 1, 1], [], []>, transpose_lhs_hint = false} : vector<2736x256xbf16>, vector<256x1024xbf16>, vector<2736x1024xf32> -> vector<2736x1024xf32>
    %broadcast_in_dim3A_23 = vector.shape_cast %get3A_8 : vector<1024xf32> to vector<1x1024xf32>
    %broadcast_in_dim3A_24 = vector.shape_cast %get3A_21 : vector<2736xf32> to vector<2736x1xf32>
    %add3A = vector.broadcast %broadcast_in_dim3A_23 : vector<1x1024xf32> to vector<2736x1024xf32>
    %add3A_25 = vector.broadcast %broadcast_in_dim3A_24 : vector<2736x1xf32> to vector<2736x1024xf32>
    %add3A_26 = arith.addf %add3A, %add3A_25 : vector<2736x1024xf32>
    %sub3A = arith.subf %add3A_26, %dot_general3A_22 : vector<2736x1024xf32>
    %reduce_min3A = arith.constant dense<0x7F800000> : vector<1024xf32>
    %reduce_min3A_27 = vector.multi_reduction <minimumf>, %sub3A, %reduce_min3A [0] : vector<2736x1024xf32> to vector<1024xf32>
    %broadcast_in_dim3A_28 = vector.shape_cast %reduce_min3A_27 : vector<1024xf32> to vector<1x1024xf32>
    %eq3A = vector.broadcast %broadcast_in_dim3A_28 : vector<1x1024xf32> to vector<2736x1024xf32>
    %eq3A_29 = arith.cmpf oeq, %sub3A, %eq3A : vector<2736x1024xf32>
    %jit3A = arith.constant 8.192000e+03 : f32
    %broadcast_in_dim3A_30 = vector.broadcast %jit3A : f32 to vector<2736x1024xf32>
    %select_n3A = arith.select %eq3A_29, %convert_element_type3A_14, %broadcast_in_dim3A_30 : vector<2736x1024xi1>, vector<2736x1024xf32>
    %reduce_min3A_31 = arith.constant dense<0x7F800000> : vector<1024xf32>
    %reduce_min3A_32 = vector.multi_reduction <minimumf>, %select_n3A, %reduce_min3A_31 [0] : vector<2736x1024xf32> to vector<1024xf32>
    %convert_element_type3A_33 = arith.fptosi %reduce_min3A_32 : vector<1024xf32> to vector<1024xi32>
    %add3A_34 = arith.constant 0 : i32
    %add3A_35 = vector.broadcast %add3A_34 : i32 to vector<1024xi32>
    %add3A_36 = arith.addi %convert_element_type3A_33, %add3A_35 : vector<1024xi32>
    %convert_element_type3A_37 = arith.extf %broadcast_in_dim3A_9 : vector<1024xbf16> to vector<1024xf32>
    %lt3A = arith.cmpf olt, %convert_element_type3A_37, %reduce_min3A_27 : vector<1024xf32>
    %ne3A = arith.cmpf one, %convert_element_type3A_37, %convert_element_type3A_37 : vector<1024xf32>
    %or3A = arith.ori %lt3A, %ne3A : vector<1024xi1>
    %eq3A_38 = arith.cmpf oeq, %convert_element_type3A_37, %reduce_min3A_27 : vector<1024xf32>
    %le3A = arith.cmpf ole, %broadcast_in_dim3A_11, %reduce_min3A_27 : vector<1024xf32>
    %and3A = arith.andi %eq3A_38, %le3A : vector<1024xi1>
    %or3A_39 = arith.ori %or3A, %and3A : vector<1024xi1>
    %select_n3A_40 = arith.select %or3A_39, %broadcast_in_dim3A_13, %add3A_36 : vector<1024xi1>, vector<1024xi32>
    %select_n3A_41 = arith.select %or3A_39, %broadcast_in_dim3A_11, %reduce_min3A_27 : vector<1024xi1>, vector<1024xf32>
    %convert_element_type3A_42 = arith.truncf %reduce_min3A_27 : vector<1024xf32> to vector<1024xbf16>
    %select_n3A_43 = arith.select %or3A_39, %broadcast_in_dim3A_9, %convert_element_type3A_42 : vector<1024xi1>, vector<1024xbf16>
    %get3A_44 = arith.constant 2736 : index
    %get3A_45 = arith.constant 0 : index
    %get3A_46 = vector.load %arg2[%get3A_44, %get3A_45] : memref<8192x256xbf16, #tpu.memory_space<vmem>>, vector<2736x256xbf16>
    %get3A_47 = arith.constant 0 : index
    %get3A_48 = arith.constant 2736 : index
    %get3A_49 = vector.load %arg4[%get3A_47, %get3A_48] : memref<1x8192xf32, #tpu.memory_space<vmem>>, vector<1x2736xf32>
    %get3A_50 = vector.shape_cast %get3A_49 : vector<1x2736xf32> to vector<2736xf32>
    %dot_general3A_51 = arith.constant dense<0.000000e+00> : vector<2736x1024xf32>
    %dot_general3A_52 = tpu.matmul %get3A_46, %convert_element_type3A, %dot_general3A_51 {dimension_numbers = #tpu.dot_dimension_numbers<[1], [0], [0], [1], [0, 0, 1, 1], [], []>, transpose_lhs_hint = false} : vector<2736x256xbf16>, vector<256x1024xbf16>, vector<2736x1024xf32> -> vector<2736x1024xf32>
    %broadcast_in_dim3A_53 = vector.shape_cast %get3A_8 : vector<1024xf32> to vector<1x1024xf32>
    %broadcast_in_dim3A_54 = vector.shape_cast %get3A_50 : vector<2736xf32> to vector<2736x1xf32>
    %add3A_55 = vector.broadcast %broadcast_in_dim3A_53 : vector<1x1024xf32> to vector<2736x1024xf32>
    %add3A_56 = vector.broadcast %broadcast_in_dim3A_54 : vector<2736x1xf32> to vector<2736x1024xf32>
    %add3A_57 = arith.addf %add3A_55, %add3A_56 : vector<2736x1024xf32>
    %sub3A_58 = arith.subf %add3A_57, %dot_general3A_52 : vector<2736x1024xf32>
    %reduce_min3A_59 = arith.constant dense<0x7F800000> : vector<1024xf32>
    %reduce_min3A_60 = vector.multi_reduction <minimumf>, %sub3A_58, %reduce_min3A_59 [0] : vector<2736x1024xf32> to vector<1024xf32>
    %broadcast_in_dim3A_61 = vector.shape_cast %reduce_min3A_60 : vector<1024xf32> to vector<1x1024xf32>
    %eq3A_62 = vector.broadcast %broadcast_in_dim3A_61 : vector<1x1024xf32> to vector<2736x1024xf32>
    %eq3A_63 = arith.cmpf oeq, %sub3A_58, %eq3A_62 : vector<2736x1024xf32>
    %jit3A_64 = arith.constant 8.192000e+03 : f32
    %broadcast_in_dim3A_65 = vector.broadcast %jit3A_64 : f32 to vector<2736x1024xf32>
    %select_n3A_66 = arith.select %eq3A_63, %convert_element_type3A_14, %broadcast_in_dim3A_65 : vector<2736x1024xi1>, vector<2736x1024xf32>
    %reduce_min3A_67 = arith.constant dense<0x7F800000> : vector<1024xf32>
    %reduce_min3A_68 = vector.multi_reduction <minimumf>, %select_n3A_66, %reduce_min3A_67 [0] : vector<2736x1024xf32> to vector<1024xf32>
    %convert_element_type3A_69 = arith.fptosi %reduce_min3A_68 : vector<1024xf32> to vector<1024xi32>
    %add3A_70 = arith.constant 2736 : i32
    %add3A_71 = vector.broadcast %add3A_70 : i32 to vector<1024xi32>
    %add3A_72 = arith.addi %convert_element_type3A_69, %add3A_71 : vector<1024xi32>
    %convert_element_type3A_73 = arith.extf %select_n3A_43 : vector<1024xbf16> to vector<1024xf32>
    %lt3A_74 = arith.cmpf olt, %convert_element_type3A_73, %reduce_min3A_60 : vector<1024xf32>
    %ne3A_75 = arith.cmpf one, %convert_element_type3A_73, %convert_element_type3A_73 : vector<1024xf32>
    %or3A_76 = arith.ori %lt3A_74, %ne3A_75 : vector<1024xi1>
    %eq3A_77 = arith.cmpf oeq, %convert_element_type3A_73, %reduce_min3A_60 : vector<1024xf32>
    %le3A_78 = arith.cmpf ole, %select_n3A_41, %reduce_min3A_60 : vector<1024xf32>
    %and3A_79 = arith.andi %eq3A_77, %le3A_78 : vector<1024xi1>
    %or3A_80 = arith.ori %or3A_76, %and3A_79 : vector<1024xi1>
    %select_n3A_81 = arith.select %or3A_80, %select_n3A_40, %add3A_72 : vector<1024xi1>, vector<1024xi32>
    %select_n3A_82 = arith.select %or3A_80, %select_n3A_41, %reduce_min3A_60 : vector<1024xi1>, vector<1024xf32>
    %convert_element_type3A_83 = arith.truncf %reduce_min3A_60 : vector<1024xf32> to vector<1024xbf16>
    %select_n3A_84 = arith.select %or3A_80, %select_n3A_43, %convert_element_type3A_83 : vector<1024xi1>, vector<1024xbf16>
    %get3A_85 = arith.constant 5472 : index
    %get3A_86 = arith.constant 0 : index
    %get3A_87 = vector.load %arg2[%get3A_85, %get3A_86] : memref<8192x256xbf16, #tpu.memory_space<vmem>>, vector<2720x256xbf16>
    %get3A_88 = arith.constant 0 : index
    %get3A_89 = arith.constant 5472 : index
    %get3A_90 = vector.load %arg4[%get3A_88, %get3A_89] : memref<1x8192xf32, #tpu.memory_space<vmem>>, vector<1x2720xf32>
    %get3A_91 = vector.shape_cast %get3A_90 : vector<1x2720xf32> to vector<2720xf32>
    %dot_general3A_92 = arith.constant dense<0.000000e+00> : vector<2720x1024xf32>
    %dot_general3A_93 = tpu.matmul %get3A_87, %convert_element_type3A, %dot_general3A_92 {dimension_numbers = #tpu.dot_dimension_numbers<[1], [0], [0], [1], [0, 0, 1, 1], [], []>, transpose_lhs_hint = false} : vector<2720x256xbf16>, vector<256x1024xbf16>, vector<2720x1024xf32> -> vector<2720x1024xf32>
    %broadcast_in_dim3A_94 = vector.shape_cast %get3A_8 : vector<1024xf32> to vector<1x1024xf32>
    %broadcast_in_dim3A_95 = vector.shape_cast %get3A_91 : vector<2720xf32> to vector<2720x1xf32>
    %add3A_96 = vector.broadcast %broadcast_in_dim3A_94 : vector<1x1024xf32> to vector<2720x1024xf32>
    %add3A_97 = vector.broadcast %broadcast_in_dim3A_95 : vector<2720x1xf32> to vector<2720x1024xf32>
    %add3A_98 = arith.addf %add3A_96, %add3A_97 : vector<2720x1024xf32>
    %sub3A_99 = arith.subf %add3A_98, %dot_general3A_93 : vector<2720x1024xf32>
    %reduce_min3A_100 = arith.constant dense<0x7F800000> : vector<1024xf32>
    %reduce_min3A_101 = vector.multi_reduction <minimumf>, %sub3A_99, %reduce_min3A_100 [0] : vector<2720x1024xf32> to vector<1024xf32>
    %slice3A = vector.extract_strided_slice %convert_element_type3A_14 {offsets = [0, 0], sizes = [2720, 1024], strides = [1, 1]} : vector<2736x1024xf32> to vector<2720x1024xf32>
    %broadcast_in_dim3A_102 = vector.shape_cast %reduce_min3A_101 : vector<1024xf32> to vector<1x1024xf32>
    %eq3A_103 = vector.broadcast %broadcast_in_dim3A_102 : vector<1x1024xf32> to vector<2720x1024xf32>
    %eq3A_104 = arith.cmpf oeq, %sub3A_99, %eq3A_103 : vector<2720x1024xf32>
    %jit3A_105 = arith.constant 8.192000e+03 : f32
    %broadcast_in_dim3A_106 = vector.broadcast %jit3A_105 : f32 to vector<2720x1024xf32>
    %select_n3A_107 = arith.select %eq3A_104, %slice3A, %broadcast_in_dim3A_106 : vector<2720x1024xi1>, vector<2720x1024xf32>
    %reduce_min3A_108 = arith.constant dense<0x7F800000> : vector<1024xf32>
    %reduce_min3A_109 = vector.multi_reduction <minimumf>, %select_n3A_107, %reduce_min3A_108 [0] : vector<2720x1024xf32> to vector<1024xf32>
    %convert_element_type3A_110 = arith.fptosi %reduce_min3A_109 : vector<1024xf32> to vector<1024xi32>
    %add3A_111 = arith.constant 5472 : i32
    %add3A_112 = vector.broadcast %add3A_111 : i32 to vector<1024xi32>
    %add3A_113 = arith.addi %convert_element_type3A_110, %add3A_112 : vector<1024xi32>
    %convert_element_type3A_114 = arith.extf %select_n3A_84 : vector<1024xbf16> to vector<1024xf32>
    %lt3A_115 = arith.cmpf olt, %convert_element_type3A_114, %reduce_min3A_101 : vector<1024xf32>
    %ne3A_116 = arith.cmpf one, %convert_element_type3A_114, %convert_element_type3A_114 : vector<1024xf32>
    %or3A_117 = arith.ori %lt3A_115, %ne3A_116 : vector<1024xi1>
    %eq3A_118 = arith.cmpf oeq, %convert_element_type3A_114, %reduce_min3A_101 : vector<1024xf32>
    %le3A_119 = arith.cmpf ole, %select_n3A_82, %reduce_min3A_101 : vector<1024xf32>
    %and3A_120 = arith.andi %eq3A_118, %le3A_119 : vector<1024xi1>
    %or3A_121 = arith.ori %or3A_117, %and3A_120 : vector<1024xi1>
    %select_n3A_122 = arith.select %or3A_121, %select_n3A_81, %add3A_113 : vector<1024xi1>, vector<1024xi32>
    %select_n3A_123 = arith.select %or3A_121, %select_n3A_82, %reduce_min3A_101 : vector<1024xi1>, vector<1024xf32>
    %swap3A = arith.constant 0 : index
    %swap3A_124 = arith.constant 0 : index
    %swap3A_125 = arith.constant 0 : index
    %swap3A_126 = vector.load %arg5[%swap3A, %swap3A_124, %swap3A_125] : memref<1x1x1024xi32, #tpu.memory_space<vmem>>, vector<1x1x1024xi32>
    %swap3A_127 = vector.shape_cast %swap3A_126 : vector<1x1x1024xi32> to vector<1024xi32>
    %swap3A_128 = vector.shape_cast %select_n3A_122 : vector<1024xi32> to vector<1x1x1024xi32>
    tpu.vector_store %arg5[%swap3A, %swap3A_124, %swap3A_125], %swap3A_128 {strides = array<i32>} : memref<1x1x1024xi32, #tpu.memory_space<vmem>>, vector<1x1x1024xi32>,
    %eq3A_129 = arith.constant 0 : i32
    %eq3A_130 = arith.cmpi eq, %arg0, %eq3A_129 : i32
    %convert_element_type3A_131 = arith.extui %eq3A_130 : i1 to i32
    %cond3A = arith.constant 0 : i32
    %cond3A_132 = arith.cmpi ne, %convert_element_type3A_131, %cond3A : i32
    scf.if %cond3A_132 {
      %swap3A_144 = arith.constant 0.000000e+00 : f32
      %swap3A_145 = arith.constant 0 : index
      %swap3A_146 = arith.constant 0 : index
      %swap3A_147 = memref.load %arg6[%swap3A_145, %swap3A_146] : memref<1x1xf32, #tpu.memory_space<smem>>
      memref.store %swap3A_144, %arg6[%swap3A_145, %swap3A_146] : memref<1x1xf32, #tpu.memory_space<smem>>
    } else {
    }
    %get3A_133 = arith.constant 0 : index
    %get3A_134 = arith.constant 0 : index
    %get3A_135 = memref.load %arg6[%get3A_133, %get3A_134] : memref<1x1xf32, #tpu.memory_space<smem>>
    %reduce_sum3A = vector.shape_cast %select_n3A_123 : vector<1024xf32> to vector<1x1024xf32>
    %reduce_sum3A_136 = arith.constant dense<0.000000e+00> : vector<1xf32>
    %reduce_sum3A_137 = vector.multi_reduction <add>, %reduce_sum3A, %reduce_sum3A_136 [1] : vector<1x1024xf32> to vector<1xf32>
    %reduce_sum3A_138 = vector.shape_cast %reduce_sum3A_137 : vector<1xf32> to vector<1x1xf32>
    %reduce_sum3A_139 = vector.extract %reduce_sum3A_138[0, 0] : f32 from vector<1x1xf32>
    %add3A_140 = arith.addf %get3A_135, %reduce_sum3A_139 : f32
    %swap3A_141 = arith.constant 0 : index
    %swap3A_142 = arith.constant 0 : index
    %swap3A_143 = memref.load %arg6[%swap3A_141, %swap3A_142] : memref<1x1xf32, #tpu.memory_space<smem>>
    memref.store %add3A_140, %arg6[%swap3A_141, %swap3A_142] : memref<1x1xf32, #tpu.memory_space<smem>>
    return
  }
  func.func @transform_0(%arg0: i32) -> (i32, i32, i32) {
    %add3A = arith.constant 8 : i32
    %add3A_0 = arith.addi %arg0, %add3A : i32
    %c0_i32 = arith.constant 0 : i32
    %c0_i32_1 = arith.constant 0 : i32
    %c0_i32_2 = arith.constant 0 : i32
    return %add3A_0, %c0_i32, %c0_i32_1 : i32, i32, i32
  }
  func.func @transform_1(%arg0: i32) -> (i32, i32) {
    %c0_i32 = arith.constant 0 : i32
    %c0_i32_0 = arith.constant 0 : i32
    %c0_i32_1 = arith.constant 0 : i32
    return %c0_i32, %c0_i32_0 : i32, i32
  }
  func.func @transform_2(%arg0: i32) -> (i32, i32, i32) {
    %add3A = arith.constant 8 : i32
    %add3A_0 = arith.addi %arg0, %add3A : i32
    %c0_i32 = arith.constant 0 : i32
    %c0_i32_1 = arith.constant 0 : i32
    %c0_i32_2 = arith.constant 0 : i32
    return %add3A_0, %c0_i32, %c0_i32_1 : i32, i32, i32
  }
  func.func @transform_3(%arg0: i32) -> (i32, i32) {
    %c0_i32 = arith.constant 0 : i32
    %c0_i32_0 = arith.constant 0 : i32
    %c0_i32_1 = arith.constant 0 : i32
    return %c0_i32, %c0_i32_0 : i32, i32
  }
  func.func @transform_4(%arg0: i32) -> (i32, i32, i32) {
    %c0_i32 = arith.constant 0 : i32
    %c0_i32_0 = arith.constant 0 : i32
    %c0_i32_1 = arith.constant 0 : i32
    return %arg0, %c0_i32, %c0_i32_0 : i32, i32, i32
  }
  func.func @transform_5(%arg0: i32) -> (i32, i32) {
    %c0_i32 = arith.constant 0 : i32
    %c0_i32_0 = arith.constant 0 : i32
    %c0_i32_1 = arith.constant 0 : i32
    return %c0_i32, %c0_i32_0 : i32, i32
  }
}

module attributes {stable_mosaic.version = 14 : i64} {
  func.func @_transpose_body(%arg0: i32, %arg1: memref<1024x256xf32, #tpu.memory_space<vmem>>, %arg2: memref<1x256x1024xf32, #tpu.memory_space<vmem>>, %arg3: memref<1x256x1024xf32, #tpu.memory_space<vmem>>) attributes {dimension_semantics = [#tpu.dimension_semantics<arbitrary>], iteration_bounds = array<i64: 8>, scalar_prefetch = 0 : i64, scratch_operands = 0 : i64, tpu.core_type = #tpu.core_type<tc>, window_params = [{transform_indices = @transform_0, window_bounds = array<i64: 1024, 256>}, {transform_indices = @transform_1, window_bounds = array<i64: 1, 256, 1024>}, {transform_indices = @transform_2, window_bounds = array<i64: 1, 256, 1024>}]} {
    %get3A = arith.constant 0 : index
    %get3A_0 = arith.constant 0 : index
    %get3A_1 = vector.load %arg1[%get3A, %get3A_0] : memref<1024x256xf32, #tpu.memory_space<vmem>>, vector<1024x256xf32>
    %transpose3A = tpu.transpose %get3A_1, [1, 0] : vector<1024x256xf32> -> vector<256x1024xf32>
    %get3A_2 = arith.constant 0 : index
    %get3A_3 = arith.constant 0 : index
    %get3A_4 = arith.constant 0 : index
    %get3A_5 = vector.load %arg2[%get3A_2, %get3A_3, %get3A_4] : memref<1x256x1024xf32, #tpu.memory_space<vmem>>, vector<1x256x1024xf32>
    %get3A_6 = vector.shape_cast %get3A_5 : vector<1x256x1024xf32> to vector<256x1024xf32>
    %sub3A = arith.subf %transpose3A, %get3A_6 : vector<256x1024xf32>
    %add3A = arith.addf %get3A_6, %sub3A : vector<256x1024xf32>
    %swap3A = arith.constant 0 : index
    %swap3A_7 = arith.constant 0 : index
    %swap3A_8 = arith.constant 0 : index
    %swap3A_9 = vector.load %arg3[%swap3A, %swap3A_7, %swap3A_8] : memref<1x256x1024xf32, #tpu.memory_space<vmem>>, vector<1x256x1024xf32>
    %swap3A_10 = vector.shape_cast %swap3A_9 : vector<1x256x1024xf32> to vector<256x1024xf32>
    %swap3A_11 = vector.shape_cast %add3A : vector<256x1024xf32> to vector<1x256x1024xf32>
    tpu.vector_store %arg3[%swap3A, %swap3A_7, %swap3A_8], %swap3A_11 {strides = array<i32>} : memref<1x256x1024xf32, #tpu.memory_space<vmem>>, vector<1x256x1024xf32>,
    return
  }
  func.func @transform_0(%arg0: i32) -> (i32, i32) {
    %c0_i32 = arith.constant 0 : i32
    %c0_i32_0 = arith.constant 0 : i32
    return %arg0, %c0_i32 : i32, i32
  }
  func.func @transform_1(%arg0: i32) -> (i32, i32, i32) {
    %c0_i32 = arith.constant 0 : i32
    %c0_i32_0 = arith.constant 0 : i32
    %c0_i32_1 = arith.constant 0 : i32
    return %arg0, %c0_i32, %c0_i32_0 : i32, i32, i32
  }
  func.func @transform_2(%arg0: i32) -> (i32, i32, i32) {
    %c0_i32 = arith.constant 0 : i32
    %c0_i32_0 = arith.constant 0 : i32
    %c0_i32_1 = arith.constant 0 : i32
    return %arg0, %c0_i32, %c0_i32_0 : i32, i32, i32
  }
}

module attributes {stable_mosaic.version = 14 : i64} {
  func.func @_lambda_(%arg0: i32, %arg1: memref<16x256x1024xf32, #tpu.memory_space<hbm>>, %arg2: memref<1024x256xf32, #tpu.memory_space<vmem>>, %arg3: memref<1x256x1024xf32, #tpu.memory_space<vmem>>, %arg4: memref<1x256x1024xf32, #tpu.memory_space<vmem>>) attributes {dimension_semantics = [#tpu.dimension_semantics<arbitrary>], iteration_bounds = array<i64: 8>, scalar_prefetch = 0 : i64, scratch_operands = 0 : i64, tpu.core_type = #tpu.core_type<tc>, window_params = [{}, {transform_indices = @transform_1, window_bounds = array<i64: 1024, 256>}, {transform_indices = @transform_2, window_bounds = array<i64: 1, 256, 1024>}, {transform_indices = @transform_3, window_bounds = array<i64: 1, 256, 1024>}]} {
    %get3A = arith.constant 0 : index
    %get3A_0 = arith.constant 0 : index
    %get3A_1 = vector.load %arg2[%get3A, %get3A_0] : memref<1024x256xf32, #tpu.memory_space<vmem>>, vector<1024x256xf32>
    %transpose3A = tpu.transpose %get3A_1, [1, 0] : vector<1024x256xf32> -> vector<256x1024xf32>
    %get3A_2 = arith.constant 0 : index
    %get3A_3 = arith.constant 0 : index
    %get3A_4 = arith.constant 0 : index
    %get3A_5 = vector.load %arg3[%get3A_2, %get3A_3, %get3A_4] : memref<1x256x1024xf32, #tpu.memory_space<vmem>>, vector<1x256x1024xf32>
    %get3A_6 = vector.shape_cast %get3A_5 : vector<1x256x1024xf32> to vector<256x1024xf32>
    %sub3A = arith.subf %transpose3A, %get3A_6 : vector<256x1024xf32>
    %add3A = arith.addf %get3A_6, %sub3A : vector<256x1024xf32>
    %swap3A = arith.constant 0 : index
    %swap3A_7 = arith.constant 0 : index
    %swap3A_8 = arith.constant 0 : index
    %swap3A_9 = vector.load %arg4[%swap3A, %swap3A_7, %swap3A_8] : memref<1x256x1024xf32, #tpu.memory_space<vmem>>, vector<1x256x1024xf32>
    %swap3A_10 = vector.shape_cast %swap3A_9 : vector<1x256x1024xf32> to vector<256x1024xf32>
    %swap3A_11 = vector.shape_cast %add3A : vector<256x1024xf32> to vector<1x256x1024xf32>
    tpu.vector_store %arg4[%swap3A, %swap3A_7, %swap3A_8], %swap3A_11 {strides = array<i32>} : memref<1x256x1024xf32, #tpu.memory_space<vmem>>, vector<1x256x1024xf32>,
    return
  }
  func.func @transform_1(%arg0: i32) -> (i32, i32) {
    %c0_i32 = arith.constant 0 : i32
    %c0_i32_0 = arith.constant 0 : i32
    return %arg0, %c0_i32 : i32, i32
  }
  func.func @transform_2(%arg0: i32) -> (i32, i32, i32) {
    %add3A = arith.constant 8 : i32
    %add3A_0 = arith.addi %arg0, %add3A : i32
    %c0_i32 = arith.constant 0 : i32
    %c0_i32_1 = arith.constant 0 : i32
    %c0_i32_2 = arith.constant 0 : i32
    return %add3A_0, %c0_i32, %c0_i32_1 : i32, i32, i32
  }
  func.func @transform_3(%arg0: i32) -> (i32, i32, i32) {
    %add3A = arith.constant 8 : i32
    %add3A_0 = arith.addi %arg0, %add3A : i32
    %c0_i32 = arith.constant 0 : i32
    %c0_i32_1 = arith.constant 0 : i32
    %c0_i32_2 = arith.constant 0 : i32
    return %add3A_0, %c0_i32, %c0_i32_1 : i32, i32, i32
  }
}

</mosaic_0001>

<sc_bundles>
// kernel: kernel.11.cloned.1.call-start
scs
__scs_entry_jumppad:
0x0: {  	(pc) =	sbr.rel $0x88, $3  }
0x1: {  	(tag) =	ssettag $0x0;
	lr =	simm.s32 $0x1  }
0x2: {  	[smem:$0x3F9F] =	sst lr;
	_ =	strace $0xD0000000  }
0x3: {  	_ = 	snop  }
0x4: {  	_ = 	snop  }
0x5: {  	_ = 	snop  }
0x6: {  	_ = 	snop  }
0x7: {  	_ = 	snop  }
__scs_overlays_trampoline_lowered:
0x8: {  	[smem:$0x3FAE] =	sst s0  }
0x9: {  	[smem:$0x3FAF] =	sst s1  }
0xa: {  	[smem:$0x3FB0] =	sst s2  }
0xb: {  	[smem:$0x3FB1] =	sst s3  }
0xc: {  	[smem:$0x3FB2] =	sst s4  }
0xd: {  	[smem:$0x3FB3] =	sst s5  }
0xe: {  	[smem:$0x3FB4] =	sst s6  }
0xf: {  	[smem:$0x3FB5] =	sst s7  }
0x10: {  	[smem:$0x3FB6] =	sst s8  }
0x11: {  	[smem:$0x3FB7] =	sst s9;
	s0 =	simm.s32 @!p0 $0x0  }
0x12: {  	s1 =	sld [smem:$0x3F9D];
	s0 =	simm.s32 @p0 $0x1  }
0x13: {  	[smem:$0x3FB8] =	sst s0;
	s0 =	simm.s32 @!p1 $0x0  }
0x14: {  	s2 =	sld [smem:$0x3F9C];
	s0 =	simm.s32 @p1 $0x1  }
0x15: {  	[smem:$0x3FB9] =	sst s0;
	s0 =	simm.s32 @!p2 $0x0  }
0x16: {  	s3 =	sld [smem:$0x3FDB];
	s0 =	simm.s32 @p2 $0x1  }
0x17: {  	s4 =	simm.s32 $0x1BF5;
	[smem:$0x3FBB] =	sst s0  }
0x18: {  	s0 =	sld [smem:$0x3F9E];
	_ =	swait.ge [sflag:s4], $0x0  }
0x19: {  	s7 =	sld [smem:$0x3F9F]  }
0x1a: {  	s8 =	sadd.s32 $0xFFFFE003, lr  }
0x1b: {  	s9 =	sadd.s32 $0xFFFFFEF7, lr;
	s5 =	simm.s32 $0xFFFFFFFF;
	p2 =	slt.u32 s8, $0xFFFFF086  }
0x1c: {  	p1 =	slt.u32 s9, $0xF7A;
	s5 =	simm.s32 @!p2 $0x0  }
0x1d: {  	s5 =	simm.s32 @p1 $0x1;
	p0 =	seq.s32 s7, s2  }
0x1e: {  	s7 =	smul.u32 @!p0 $0xF7A, s2;
	p2 =	seq.s32 @!p0 s5, $0x0  }
0x1f: {  	s9 =	smul.u32 $0xF7A, s1;
	s8 =	simm.s32 @!p0 $0x1BF5;
	p2 =	por !p2, p0  }
0x20: {  	[sflag:s8] =	ssyncset.s32 @!p0 $0xFFFFF086;
	s6 =	sadd.s32 @!p0 s3, s7;
	s7 =	simm.s32 @!p0 $0x108  }
0x21: {  	s3 =	sadd.s32 s3, s9;
	s6 =	sadd.s32 @!p0 $0x88, s6;
	s7 =	simm.s32 @p2 $0x1082  }
0x22: {  	[simem:s7], [sflag:s8] =	dma.local @!p0 [hbm:s6], $0xF7A  }
0x23: {  	s9 =	sor.u32 $0xD0000000, s2;
	s6 =	simm.s32 $0x108;
	_ =	swait.ge @!p0 [sflag:s8], $0x0  }
0x24: {  	s3 =	sadd.s32 $0x88, s3;
	s6 =	simm.s32 @!p1 $0x1082;
	[sflag:s4] =	ssyncset.s32 $0xFFFFF086  }
0x25: {  	[simem:s6], [sflag:s4] =	dma.local [hbm:s3], $0xF7A  }
0x26: {  	[smem:$0x3F9F] =	sst s1;
	(tag) =	ssettag s2;
	_ =	strace s9  }
0x27: {  	s1 =	sld [smem:$0x3FAF]  }
0x28: {  	s2 =	sld [smem:$0x3FB0]  }
0x29: {  	s4 =	sld [smem:$0x3FB2]  }
0x2a: {  	p0 =	seq.s32 s5, $0x0;
	s5 =	sld [smem:$0x3FB3]  }
0x2b: {  	s6 =	sld [smem:$0x3FB4]  }
0x2c: {  	s7 =	sld [smem:$0x3FB5]  }
0x2d: {  	s3 =	simm.s32 $0x108;
	s8 =	sld [smem:$0x3FB6]  }
0x2e: {  	s3 =	simm.s32 @!p0 $0x1082;
	s9 =	sld [smem:$0x3FB7]  }
0x2f: {  	lr =	sadd.s32 s0, s3;
	s0 =	sld [smem:$0x3FAE]  }
0x30: {  	s3 =	sld [smem:$0x3FB1]  }
0x31: {  	[smem:$0x3FBA] =	sst s10  }
0x32: {  	s10 =	sld [smem:$0x3FB8];
	_ =	sdelay $0x3  }
0x33: {  	p0 =	seq.s32 s10, $0x1;
	s10 =	sld [smem:$0x3FBA];
	_ =	sdelay $0x3  }
0x34: {  	[smem:$0x3FBA] =	sst s10  }
0x35: {  	s10 =	sld [smem:$0x3FB9];
	_ =	sdelay $0x3  }
0x36: {  	p1 =	seq.s32 s10, $0x1;
	s10 =	sld [smem:$0x3FBA];
	_ =	sdelay $0x3  }
0x37: {  	[smem:$0x3FBA] =	sst s10  }
0x38: {  	s10 =	sld [smem:$0x3FBB]  }
0x39: {  	_ = 	snop;
	(pc) =	sbr.ind lr, $3  }
0x3a: {  	_ = 	snop  }
0x3b: {  	_ = 	snop  }
0x3c: {  	p2 =	seq.s32 s10, $0x1;
	s10 =	sld [smem:$0x3FBA]  }
0x3d: {  	_ =	shalt  }
0x3e: {  	_ =	shalt  }
0x3f: {  	_ =	shalt  }
0x40: {  	_ =	shalt  }
0x41: {  	_ =	shalt  }
0x42: {  	_ =	shalt  }
0x43: {  	_ =	shalt  }
0x44: {  	_ =	shalt  }
0x45: {  	_ =	shalt  }
0x46: {  	_ =	shalt  }
0x47: {  	_ =	shalt  }
0x48: {  	_ =	shalt  }
0x49: {  	_ =	shalt  }
0x4a: {  	_ =	shalt  }
0x4b: {  	_ =	shalt  }
0x4c: {  	_ =	shalt  }
0x4d: {  	_ =	shalt  }
0x4e: {  	_ =	shalt  }
0x4f: {  	_ =	shalt  }
0x50: {  	_ =	shalt  }
0x51: {  	_ =	shalt  }
0x52: {  	_ =	shalt  }
0x53: {  	_ =	shalt  }
0x54: {  	_ =	shalt  }
0x55: {  	_ =	shalt  }
0x56: {  	_ =	shalt  }
0x57: {  	_ =	shalt  }
0x58: {  	_ =	shalt  }
0x59: {  	_ =	shalt  }
0x5a: {  	_ =	shalt  }
0x5b: {  	_ =	shalt  }
0x5c: {  	_ =	shalt  }
0x5d: {  	_ =	shalt  }
0x5e: {  	_ =	shalt  }
0x5f: {  	_ =	shalt  }
0x60: {  	_ =	shalt  }
0x61: {  	_ =	shalt  }
0x62: {  	_ =	shalt  }
0x63: {  	_ =	shalt  }
0x64: {  	_ =	shalt  }
0x65: {  	_ =	shalt  }
0x66: {  	_ =	shalt  }
0x67: {  	_ =	shalt  }
0x68: {  	_ =	shalt  }
0x69: {  	_ =	shalt  }
0x6a: {  	_ =	shalt  }
0x6b: {  	_ =	shalt  }
0x6c: {  	_ =	shalt  }
0x6d: {  	_ =	shalt  }
0x6e: {  	_ =	shalt  }
0x6f: {  	_ =	shalt  }
0x70: {  	_ =	shalt  }
0x71: {  	_ =	shalt  }
0x72: {  	_ =	shalt  }
0x73: {  	_ =	shalt  }
0x74: {  	_ =	shalt  }
0x75: {  	_ =	shalt  }
0x76: {  	_ =	shalt  }
0x77: {  	_ =	shalt  }
0x78: {  	_ =	shalt  }
0x79: {  	_ =	shalt  }
0x7a: {  	_ =	shalt  }
0x7b: {  	_ =	shalt  }
0x7c: {  	_ =	shalt  }
0x7d: {  	_ =	shalt  }
0x7e: {  	_ =	shalt  }
0x7f: {  	_ =	shalt  }
0x80: {  	_ =	shalt  }
0x81: {  	_ =	shalt  }
0x82: {  	_ =	shalt  }
0x83: {  	_ =	shalt  }
0x84: {  	_ =	shalt  }
0x85: {  	_ =	shalt  }
0x86: {  	_ =	shalt  }
0x87: {  	_ =	shalt  }
.Lfunc_end0:
.L_simem_size_0:
called_computation.1_lowered:
.L_overlay_start_0:
0x88: {  	s2 =	sld [smem:$0x3FD9]  }
0x89: {  	s3 =	sld [smem:$0x3FFE];
	_ =	sdelay $0x1  }
0x8a: {  	s1 =	srdreg.scid  }
0x8b: {  	s0 =	sand.u32 $0x1, s1  }
0x8c: {  	s17 =	sshll.u32 s0, $0xA;
	s2 =	sadd.s32 s3, s2  }
0x8d: {  	s2 =	sadd.s32 s2, s17  }
0x8e: {  	[smem:$0x3FC6] =	sst s2  }
0x8f: {  	_ = 	snop  }
0x90: {  	s18 =	sld [smem:$0x3FC8];
	(tm) =	ssettm $0x1  }
0x91: {  	s19 =	sld [smem:$0x3FFB];
	_ =	sdelay $0x3  }
0x92: {  	_ =	strace s19  }
0x93: {  	s2 =	sld [smem:$0x3FFC];
	_ =	sdelay $0x3  }
0x94: {  	_ =	strace s2  }
0x95: {  	s2 =	sld [smem:$0x3FFD];
	_ =	sdelay $0x3  }
0x96: {  	_ =	strace s2  }
0x97: {  	_ =	strace $0x8FFFFFFF  }
0x98: {  	s20 =	sld [smem:$0x3FDB];
	_ =	sdelay $0x1  }
0x99: {  	s4 =	simm.s32 $_scs_section_size  }
0x9a: {  	s5 =	simm.s32 $_size__tile_overlayer_lowered;
	s6 =	simm.s32 $_tile_overlayer_lowered  }
0x9b: {  	s7 =	simm.s32 $0x1BFF;
	s21 =	sshll.u32 s6, $0x1;
	s4 =	sadd.s32 s4, s20  }
0x9c: {  	s22 =	simm.s32 $0x0;
	s5 =	sshll.u32 s5, $0x1;
	s6 =	sadd.s32 s21, s4  }
0x9d: {  	[timem:s22], [sflag:s7] =	dma.local [hbm:s6], s5  }
0x9e: {  	_ =	swait.ge [sflag:s7], s5  }
0x9f: {  	s5 =	ssub.s32 $0x0, s5;
	[sflag:s7] =	ssyncset.done $0x0  }
0xa0: {  	[sflag:s7] =	ssyncadd.s32 s5;
	_ =	sdelay $0x1  }
0xa1: {  	s23 =	simm.s32 $0x1B8B  }
0xa2: {  	_ =	swait.ge [sflag:s23], $0x1  }
0xa3: {  	[sflag:s23] =	ssyncset.done $0x0  }
0xa4: {  	[sflag:s23] =	ssyncadd.s32 $0xFFFFFFFF  }
0xa5: {  	s5 =	sld [smem:$0x0]  }
0xa6: {  	s6 =	sand.u32 $0xFFFFFFFE, s1  }
0xa7: {  	p0 =	sne.s32 s1, s6  }
0xa8: {  	s6 =	sshll.u32 @p0 s6, $0xE  }
0xa9: {  	s6 =	sadd.s32 @p0 $0x11B8D, s6;
	s7 =	sshll.u32 @p0 s5, $0x11  }
0xaa: {  	s6 =	sor.u32 @p0 s7, s6  }
0xab: {  	[sflag:s6] =	ssyncadd.remote.s32 @p0 $0x1;
	_ =	sdelay $0x1  }
0xac: {  	s6 =	simm.s32 @p0 $0x1B8D  }
0xad: {  	_ =	swait.eq @p0 [sflag:s6], $0x1  }
0xae: {  	[sflag:s6] =	ssyncadd.s32 @p0 $0xFFFFFFFF  }
0xaf: {  	s7 =	sshll.u32 @!p0 s1, $0xE  }
0xb0: {  	s7 =	sor.u32 @!p0 $0x4000, s7;
	s6 =	simm.s32 @!p0 $0x1B8D  }
0xb1: {  	s5 =	sshll.u32 @!p0 s5, $0x11;
	s7 =	sadd.s32 @!p0 $0x11B8D, s7;
	_ =	swait.eq @!p0 [sflag:s6], $0x1  }
0xb2: {  	s5 =	sor.u32 @!p0 s5, s7;
	[sflag:s6] =	ssyncadd.s32 @!p0 $0xFFFFFFFF  }
0xb3: {  	s25 =	simm.s32 $0x1B8E;
	s24 =	sld [smem:$0x3FFE];
	[sflag:s5] =	ssyncadd.remote.s32 @!p0 $0x1  }
0xb4: {  	s26 =	simm.s32 $execute0_lowered;
	[smem:$0x3FD2] =	sst s25  }
0xb5: {  	s6 =	sshll.u32 s26, $0x1;
	_ =	strace $0x80000049;
	[dreg:$0x1] =	wrdreg $0xFFFFFFFF  }
0xb6: {  	s28 =	simm.s32 $_size_execute0_lowered;
	s4 =	sadd.s32 s4, s6;
	[dreg:$0x0] =	wrdreg $0x0  }
0xb7: {  	s6 =	sshll.u32 s28, $0x1;
	[dreg:$0x2] =	wrdreg s4  }
0xb8: {  	[dreg:$0x3] =	wrdreg s6  }
0xb9: {  	[dreg:$0x4] =	wrdreg $0xC0  }
0xba: {  	_ =	task [dreg:s22], $0x5FFFF  }
0xbb: {  	[dreg:$0x1] =	wrdreg $0xFFFFFFFF  }
0xbc: {  	[dreg:$0x0] =	wrdreg $0x60  }
0xbd: {  	[dreg:$0x2] =	wrdreg s18  }
0xbe: {  	[dreg:$0x3] =	wrdreg s24  }
0xbf: {  	[dreg:$0x4] =	wrdreg $0xA  }
0xc0: {  	_ =	task.clear_ibuf [dreg:s22], $0x5FFFF;
	_ =	strace $0x90000049  }
0xc1: {  	s29 =	simm.s32 $0xA;
	_ =	strace $0x8000004B  }
0xc2: {  	_ =	swait.ge [sflag:s29], $0x1  }
0xc3: {  	[sflag:s29] =	ssyncadd.s32 $0xFFFFFFFF  }
0xc4: {  	_ =	strace $0x9000004B  }
0xc5: {  	_ =	sfence  }
0xc6: {  	s30 =	sld [smem:$0x0];
	_ =	sdelay $0x2  }
0xc7: {  	s31 =	sshll.u32 s1, $0xD;
	s1 =	sshrl.u32 s1, $0x2  }
0xc8: {  	s4 =	sand.u32 $0x4000, s31;
	s1 =	sadd.s32 s1, s30  }
0xc9: {  	s0 =	sor.u32 s4, s0;
	s1 =	sshll.u32 s1, $0x11  }
0xca: {  	s0 =	sor.u32 s1, s0  }
0xcb: {  	s0 =	sadd.s32 $0x8F2B, s0  }
0xcc: {  	[sflag:s0] =	ssyncadd.remote.s32 $0x1  }
0xcd: {  	_ =	sfence.sel $0xFFFF  }
0xce: {  	[dreg:$0x0] =	wrdreg $0xFFFFFFFF;
	(pc) =	sbr.abs _section_cstart, $3  }
0xcf: {  	[dreg:$0x1] =	wrdreg $0xFFFFFFFF  }
0xd0: {  	_ =	task.clear_ibuf [dreg:s22], $0x2FFFF;
	_ =	strace $0x9FFFFFFF  }
0xd1: {  	(tm) =	ssettm $0x7FFFFFFF  }
tec
execute0_lowered:
.L_overlay_start_1:
0x0: {  	(tag) =	ssettag $0x1  }
0x1: {  	s1 =	rddreg [dreg:$0x0]  }
0x2: {  	s5 =	rddreg [dreg:$0x1]  }
0x3: {  	s0 =	rddreg [dreg:$0x2]  }
0x4: {  	s2 =	simm.s32 $0x0;
	s3 =	srdreg.scid;
	s9 =	simm.s32 $0x880  }
0x5: {  	s10 =	simm.s32 $0x1080;
	s11 =	simm.s32 $0x1880;
	s12 =	simm.s32 $0x2080  }
0x6: {  	s13 =	simm.s32 $0x2880;
	s14 =	simm.s32 $0x3080;
	s15 =	simm.s32 $0x3880  }
0x7: {  	s16 =	simm.s32 $0x4080;
	s17 =	simm.s32 $0x4880;
	s18 =	simm.s32 $0x5080  }
0x8: {  	s19 =	simm.s32 $0x5880;
	s20 =	simm.s32 $0x6080;
	s21 =	simm.s32 $0x6880  }
0x9: {  	s22 =	simm.s32 $0x7080;
	s23 =	simm.s32 $0x7880;
	s24 =	simm.s32 $0x1  }
0xa: {  	s25 =	simm.s32 $0x0;
	[smem:$0x7FF] =	sst s2;
	s6 =	sand.u32 $0x1, s3  }
0xb: {  	s4 =	sadd.s32 $0x1800, s5;
	s3 =	stileid.u32;
	s7 =	ssub.s32 $0x2, s6  }
0xc: {  	v2 =	vlaneseq.u32;
	s5 =	sadd.s32 $0x1C00, s5;
	_ =	strace $0x8000004A;
	s8 =	sshrl.u32 s7, $0x1  }
0xd: {  	vm0 =	vmmov $0xffff;
	v1 =	vshrl.u32 v2, $0x3;
	s31 =	sshll.u32 s3, $0x9;
	s6 =	sshll.u32 s6, $0x8;
	s7 =	ssub.s32 s7, s8  }
0xe: {  	v0 =	vand.u32 $0x7, v2;
	v2 =	vor.u32 $0x8, v2;
	v1 =	vmul.u32 $0x8, v1;
	s6 =	sor.u32 s6, s31;
	s8 =	simm.s32 $0x2;
	s7 =	smax.u32 s7, $0x1  }
.LBB2_1:
0xf: {  	p0 =	por $0x1, $0x1;
	s28 =	simm.s32 $0x0  }
.LBB2_2:
0x10: {  	s26 =	sor.u32 s6, s28  }
0x11: {  	s28 =	sshrl.u32 s26, $0x3  }
0x12: {  	s28 =	sadd.s32 s4, s28  }
0x13: {  	[tilespmem:s2], [sflag:$0x2] =	stream.linear.gather [hbm4b:s28+s2], $0x80, $0x38;
	[tilespmem:$0x8080] =	vst v63  }
0x14: {  	_ =	swait.ge [sflag:s8], $0x80  }
0x15: {  	[sflag:s8] =	ssyncset.done $0x0  }
0x16: {  	[sflag:s8] =	ssyncadd.s32 $0xFFFFFF80  }
0x17: {  	v3 =	vld [tilespmem:$0x0];
	_ =	sdelay $0x4  }
0x18: {  	v4 =	vshll.u32 v3, $0x1  }
0x19: {  	v3 =	vand.u32 $0x7, v3;
	v4 =	vand.u32 $0xFFFFFFF0, v4  }
0x1a: {  	v3 =	vor.u32 v3, v4  }
0x1b: {  	v4 =	vperm.xlane v3, v0;
	_ =	sdelay $0x1  }
0x1c: {  	v3 =	vperm.xlane v3, v2;
	v4 =	vadd.s32 v1, v4;
	_ =	sdelay $0x1  }
0x1d: {  	v3 =	vadd.s32 v1, v3;
	_ =	sdelay $0x1  }
0x1e: {  	s28 =	simm.s32 $0x80  }
0x1f: {  	[tilespmem:s28], [sflag:$0x1] =	stream.indirect_vreg.gather [hbm4b:s1+s2], $0x80, v4, vm0, $0xb8;
	[tilespmem:$0x8080] =	vst v63  }
0x20: {  	_ = 	snop  }
0x21: {  	[tilespmem:s9], [sflag:$0x1] =	stream.indirect_vreg.gather [hbm4b:s1+s2], $0x80, v3, vm0, $0xb8;
	[tilespmem:$0x8080] =	vst v63  }
0x22: {  	v3 =	vld [tilespmem:$0x10];
	_ =	sdelay $0x4  }
0x23: {  	v57 =	vshll.u32 v3, $0x1  }
0x24: {  	v3 =	vand.u32 $0x7, v3;
	v4 =	vand.u32 $0xFFFFFFF0, v57  }
0x25: {  	v3 =	vor.u32 v3, v4  }
0x26: {  	v4 =	vperm.xlane v3, v0;
	_ =	sdelay $0x1  }
0x27: {  	v3 =	vperm.xlane v3, v2;
	v4 =	vadd.s32 v1, v4;
	_ =	sdelay $0x1  }
0x28: {  	v3 =	vadd.s32 v1, v3;
	_ =	sdelay $0x2  }
0x29: {  	[tilespmem:s10], [sflag:$0x1] =	stream.indirect_vreg.gather [hbm4b:s1+s2], $0x80, v4, vm0, $0xb8;
	[tilespmem:$0x8080] =	vst v63  }
0x2a: {  	_ = 	snop  }
0x2b: {  	[tilespmem:s11], [sflag:$0x1] =	stream.indirect_vreg.gather [hbm4b:s1+s2], $0x80, v3, vm0, $0xb8;
	[tilespmem:$0x8080] =	vst v63  }
0x2c: {  	v3 =	vld [tilespmem:$0x20];
	_ =	sdelay $0x4  }
0x2d: {  	v58 =	vshll.u32 v3, $0x1  }
0x2e: {  	v3 =	vand.u32 $0x7, v3;
	v4 =	vand.u32 $0xFFFFFFF0, v58  }
0x2f: {  	v3 =	vor.u32 v3, v4  }
0x30: {  	v4 =	vperm.xlane v3, v0;
	_ =	sdelay $0x1  }
0x31: {  	v3 =	vperm.xlane v3, v2;
	v4 =	vadd.s32 v1, v4;
	_ =	sdelay $0x1  }
0x32: {  	v3 =	vadd.s32 v1, v3;
	_ =	sdelay $0x2  }
0x33: {  	[tilespmem:s12], [sflag:$0x1] =	stream.indirect_vreg.gather [hbm4b:s1+s2], $0x80, v4, vm0, $0xb8;
	[tilespmem:$0x8080] =	vst v63  }
0x34: {  	_ = 	snop  }
0x35: {  	[tilespmem:s13], [sflag:$0x1] =	stream.indirect_vreg.gather [hbm4b:s1+s2], $0x80, v3, vm0, $0xb8;
	[tilespmem:$0x8080] =	vst v63  }
0x36: {  	v3 =	vld [tilespmem:$0x30];
	_ =	sdelay $0x4  }
0x37: {  	v59 =	vshll.u32 v3, $0x1  }
0x38: {  	v3 =	vand.u32 $0x7, v3;
	v4 =	vand.u32 $0xFFFFFFF0, v59  }
0x39: {  	v3 =	vor.u32 v3, v4  }
0x3a: {  	v4 =	vperm.xlane v3, v0;
	_ =	sdelay $0x1  }
0x3b: {  	v3 =	vperm.xlane v3, v2;
	v4 =	vadd.s32 v1, v4;
	_ =	sdelay $0x1  }
0x3c: {  	v3 =	vadd.s32 v1, v3;
	_ =	sdelay $0x2  }
0x3d: {  	[tilespmem:s14], [sflag:$0x1] =	stream.indirect_vreg.gather [hbm4b:s1+s2], $0x80, v4, vm0, $0xb8;
	[tilespmem:$0x8080] =	vst v63  }
0x3e: {  	_ = 	snop  }
0x3f: {  	[tilespmem:s15], [sflag:$0x1] =	stream.indirect_vreg.gather [hbm4b:s1+s2], $0x80, v3, vm0, $0xb8;
	[tilespmem:$0x8080] =	vst v63  }
0x40: {  	v3 =	vld [tilespmem:$0x40];
	_ =	sdelay $0x4  }
0x41: {  	v60 =	vshll.u32 v3, $0x1  }
0x42: {  	v3 =	vand.u32 $0x7, v3;
	v4 =	vand.u32 $0xFFFFFFF0, v60  }
0x43: {  	v3 =	vor.u32 v3, v4  }
0x44: {  	v4 =	vperm.xlane v3, v0;
	_ =	sdelay $0x1  }
0x45: {  	v3 =	vperm.xlane v3, v2;
	v4 =	vadd.s32 v1, v4;
	_ =	sdelay $0x1  }
0x46: {  	v3 =	vadd.s32 v1, v3;
	_ =	sdelay $0x2  }
0x47: {  	[tilespmem:s16], [sflag:$0x1] =	stream.indirect_vreg.gather [hbm4b:s1+s2], $0x80, v4, vm0, $0xb8;
	[tilespmem:$0x8080] =	vst v63  }
0x48: {  	_ = 	snop  }
0x49: {  	[tilespmem:s17], [sflag:$0x1] =	stream.indirect_vreg.gather [hbm4b:s1+s2], $0x80, v3, vm0, $0xb8;
	[tilespmem:$0x8080] =	vst v63  }
0x4a: {  	v3 =	vld [tilespmem:$0x50];
	_ =	sdelay $0x4  }
0x4b: {  	v61 =	vshll.u32 v3, $0x1  }
0x4c: {  	v3 =	vand.u32 $0x7, v3;
	v4 =	vand.u32 $0xFFFFFFF0, v61  }
0x4d: {  	v3 =	vor.u32 v3, v4  }
0x4e: {  	v4 =	vperm.xlane v3, v0;
	_ =	sdelay $0x1  }
0x4f: {  	v3 =	vperm.xlane v3, v2;
	v4 =	vadd.s32 v1, v4;
	_ =	sdelay $0x1  }
0x50: {  	v3 =	vadd.s32 v1, v3;
	_ =	sdelay $0x2  }
0x51: {  	[tilespmem:s18], [sflag:$0x1] =	stream.indirect_vreg.gather [hbm4b:s1+s2], $0x80, v4, vm0, $0xb8;
	[tilespmem:$0x8080] =	vst v63  }
0x52: {  	_ = 	snop  }
0x53: {  	[tilespmem:s19], [sflag:$0x1] =	stream.indirect_vreg.gather [hbm4b:s1+s2], $0x80, v3, vm0, $0xb8;
	[tilespmem:$0x8080] =	vst v63  }
0x54: {  	v3 =	vld [tilespmem:$0x60];
	_ =	sdelay $0x4  }
0x55: {  	v62 =	vshll.u32 v3, $0x1  }
0x56: {  	v3 =	vand.u32 $0x7, v3;
	v4 =	vand.u32 $0xFFFFFFF0, v62  }
0x57: {  	v3 =	vor.u32 v3, v4  }
0x58: {  	v4 =	vperm.xlane v3, v0;
	_ =	sdelay $0x1  }
0x59: {  	v3 =	vperm.xlane v3, v2;
	v4 =	vadd.s32 v1, v4;
	_ =	sdelay $0x1  }
0x5a: {  	v3 =	vadd.s32 v1, v3;
	_ =	sdelay $0x2  }
0x5b: {  	[tilespmem:s20], [sflag:$0x1] =	stream.indirect_vreg.gather [hbm4b:s1+s2], $0x80, v4, vm0, $0xb8;
	[tilespmem:$0x8080] =	vst v63  }
0x5c: {  	_ = 	snop  }
0x5d: {  	[tilespmem:s21], [sflag:$0x1] =	stream.indirect_vreg.gather [hbm4b:s1+s2], $0x80, v3, vm0, $0xb8;
	[tilespmem:$0x8080] =	vst v63  }
0x5e: {  	v3 =	vld [tilespmem:$0x70];
	_ =	sdelay $0x4  }
0x5f: {  	v63 =	vshll.u32 v3, $0x1  }
0x60: {  	v3 =	vand.u32 $0x7, v3;
	v4 =	vand.u32 $0xFFFFFFF0, v63  }
0x61: {  	v3 =	vor.u32 v3, v4  }
0x62: {  	v4 =	vperm.xlane v3, v0;
	_ =	sdelay $0x1  }
0x63: {  	v3 =	vperm.xlane v3, v2;
	v4 =	vadd.s32 v1, v4;
	_ =	sdelay $0x1  }
0x64: {  	v3 =	vadd.s32 v1, v3;
	_ =	sdelay $0x2  }
0x65: {  	[tilespmem:s22], [sflag:$0x1] =	stream.indirect_vreg.gather [hbm4b:s1+s2], $0x80, v4, vm0, $0xb8;
	[tilespmem:$0x8080] =	vst v63  }
0x66: {  	_ = 	snop  }
0x67: {  	[tilespmem:s23], [sflag:$0x1] =	stream.indirect_vreg.gather [hbm4b:s1+s2], $0x80, v3, vm0, $0xb8;
	[tilespmem:$0x8080] =	vst v63  }
0x68: {  	_ =	swait.ge [sflag:s24], $0x8000  }
0x69: {  	p1 =	por p0, p0;
	s26 =	sshll.u32 s26, $0x5;
	[sflag:s24] =	ssyncset.done $0x0  }
.Ltmp0:
0x6a: {  	s26 =	sadd.s32 s5, s26;
	[sflag:s24] =	ssyncadd.s32 $0xFFFF8000;
	(pc) =	sbr.rel @p1 .LBB2_2-.Ltmp0, $4  }
0x6b: {  	[hbm4b:s26+s2] =	stream.linear.scatter [tilespmem:s28], [sflag:$0x2], $0x8000, $0x38;
	[tilespmem:$0x8080] =	vst v63  }
0x6c: {  	_ =	swait.ge [sflag:s8], $0x8000  }
0x6d: {  	[sflag:s8] =	ssyncset.done $0x0  }
0x6e: {  	p0 =	por $0x0, $0x0;
	[sflag:s8] =	ssyncadd.s32 $0xFFFF8000  }
0x6f: {  	s25 =	sadd.s32 $0x1, s25  }
0x70: {  	p0 =	sne.s32 s25, s7  }
.Ltmp1:
0x71: {  	_ = 	snop;
	(pc) =	sbr.rel @p0 .LBB2_1-.Ltmp1, $1  }
0x72: {  	_ =	sdelay $0x3  }
0x73: {  	_ =	sfence.sel $0x180000  }
0x74: {  	[bflag:$0x0] =	sbarrier.arrive $0xFFFF  }
0x75: {  	p0 =	sne.s32 s3, $0x0;
	_ =	strace $0x9000004A  }
0x76: {  	s0 =	sadd.s32 @!p0 $0x100000, s0;
	[bflag:$0x2] =	sbarrier.arrive $0xFFFF  }
0x77: {  	[sflag:s0] =	ssyncadd.tile.s32 @!p0 $0x1;
	_ =	shalt  }
.Lfunc_end2:
_tile_overlayer_lowered:
.L_overlay_start_2:
0x78: {  	(tag) =	ssettag $0x2  }
0x79: {  	s0 =	rddreg [dreg:$0x0];
	s2 =	stileid.u32  }
0x7a: {  	s1 =	rddreg [dreg:$0x1];
	p0 =	sne.s32 s2, $0x0  }
0x7b: {  	s3 =	rddreg [dreg:$0x2];
	[bflag:$0x3] =	sbarrier.arrive $0xFFFF;
	s2 =	simm.s32 @!p0 $0x1C02  }
0x7c: {  	[timem:s3], [sflag:s2] =	dma.local @!p0 [hbm:s0], s1  }
0x7d: {  	s0 =	simm.s32 @!p0 $0x2  }
0x7e: {  	_ =	swait.ge @!p0 [sflag:s0], s1  }
0x7f: {  	s1 =	ssub.s32 @!p0 $0x0, s1;
	[sflag:s0] =	ssyncset.done @!p0 $0x0  }
0x80: {  	[sflag:s0] =	ssyncadd.s32 @!p0 s1  }
0x81: {  	[bflag:$0x3] =	sbarrier.arrive $0xFFFF  }
0x82: {  	_ =	shalt  }

// kernel: kernel.8.cloned.1.call-start
scs
__scs_entry_jumppad:
0x0: {  	(pc) =	sbr.rel $0x88, $3  }
0x1: {  	(tag) =	ssettag $0x0;
	lr =	simm.s32 $0x1  }
0x2: {  	[smem:$0x3F9F] =	sst lr;
	_ =	strace $0xD0000000  }
0x3: {  	_ = 	snop  }
0x4: {  	_ = 	snop  }
0x5: {  	_ = 	snop  }
0x6: {  	_ = 	snop  }
0x7: {  	_ = 	snop  }
__scs_overlays_trampoline_lowered:
0x8: {  	[smem:$0x3FAE] =	sst s0  }
0x9: {  	[smem:$0x3FAF] =	sst s1  }
0xa: {  	[smem:$0x3FB0] =	sst s2  }
0xb: {  	[smem:$0x3FB1] =	sst s3  }
0xc: {  	[smem:$0x3FB2] =	sst s4  }
0xd: {  	[smem:$0x3FB3] =	sst s5  }
0xe: {  	[smem:$0x3FB4] =	sst s6  }
0xf: {  	[smem:$0x3FB5] =	sst s7  }
0x10: {  	[smem:$0x3FB6] =	sst s8  }
0x11: {  	[smem:$0x3FB7] =	sst s9;
	s0 =	simm.s32 @!p0 $0x0  }
0x12: {  	s1 =	sld [smem:$0x3F9D];
	s0 =	simm.s32 @p0 $0x1  }
0x13: {  	[smem:$0x3FB8] =	sst s0;
	s0 =	simm.s32 @!p1 $0x0  }
0x14: {  	s2 =	sld [smem:$0x3F9C];
	s0 =	simm.s32 @p1 $0x1  }
0x15: {  	[smem:$0x3FB9] =	sst s0;
	s0 =	simm.s32 @!p2 $0x0  }
0x16: {  	s3 =	sld [smem:$0x3FDB];
	s0 =	simm.s32 @p2 $0x1  }
0x17: {  	s4 =	simm.s32 $0x1BF5;
	[smem:$0x3FBB] =	sst s0  }
0x18: {  	s0 =	sld [smem:$0x3F9E];
	_ =	swait.ge [sflag:s4], $0x0  }
0x19: {  	s7 =	sld [smem:$0x3F9F]  }
0x1a: {  	s8 =	sadd.s32 $0xFFFFE003, lr  }
0x1b: {  	s9 =	sadd.s32 $0xFFFFFEF7, lr;
	s5 =	simm.s32 $0xFFFFFFFF;
	p2 =	slt.u32 s8, $0xFFFFF086  }
0x1c: {  	p1 =	slt.u32 s9, $0xF7A;
	s5 =	simm.s32 @!p2 $0x0  }
0x1d: {  	s5 =	simm.s32 @p1 $0x1;
	p0 =	seq.s32 s7, s2  }
0x1e: {  	s7 =	smul.u32 @!p0 $0xF7A, s2;
	p2 =	seq.s32 @!p0 s5, $0x0  }
0x1f: {  	s9 =	smul.u32 $0xF7A, s1;
	s8 =	simm.s32 @!p0 $0x1BF5;
	p2 =	por !p2, p0  }
0x20: {  	[sflag:s8] =	ssyncset.s32 @!p0 $0xFFFFF086;
	s6 =	sadd.s32 @!p0 s3, s7;
	s7 =	simm.s32 @!p0 $0x108  }
0x21: {  	s3 =	sadd.s32 s3, s9;
	s6 =	sadd.s32 @!p0 $0x88, s6;
	s7 =	simm.s32 @p2 $0x1082  }
0x22: {  	[simem:s7], [sflag:s8] =	dma.local @!p0 [hbm:s6], $0xF7A  }
0x23: {  	s9 =	sor.u32 $0xD0000000, s2;
	s6 =	simm.s32 $0x108;
	_ =	swait.ge @!p0 [sflag:s8], $0x0  }
0x24: {  	s3 =	sadd.s32 $0x88, s3;
	s6 =	simm.s32 @!p1 $0x1082;
	[sflag:s4] =	ssyncset.s32 $0xFFFFF086  }
0x25: {  	[simem:s6], [sflag:s4] =	dma.local [hbm:s3], $0xF7A  }
0x26: {  	[smem:$0x3F9F] =	sst s1;
	(tag) =	ssettag s2;
	_ =	strace s9  }
0x27: {  	s1 =	sld [smem:$0x3FAF]  }
0x28: {  	s2 =	sld [smem:$0x3FB0]  }
0x29: {  	s4 =	sld [smem:$0x3FB2]  }
0x2a: {  	p0 =	seq.s32 s5, $0x0;
	s5 =	sld [smem:$0x3FB3]  }
0x2b: {  	s6 =	sld [smem:$0x3FB4]  }
0x2c: {  	s7 =	sld [smem:$0x3FB5]  }
0x2d: {  	s3 =	simm.s32 $0x108;
	s8 =	sld [smem:$0x3FB6]  }
0x2e: {  	s3 =	simm.s32 @!p0 $0x1082;
	s9 =	sld [smem:$0x3FB7]  }
0x2f: {  	lr =	sadd.s32 s0, s3;
	s0 =	sld [smem:$0x3FAE]  }
0x30: {  	s3 =	sld [smem:$0x3FB1]  }
0x31: {  	[smem:$0x3FBA] =	sst s10  }
0x32: {  	s10 =	sld [smem:$0x3FB8];
	_ =	sdelay $0x3  }
0x33: {  	p0 =	seq.s32 s10, $0x1;
	s10 =	sld [smem:$0x3FBA];
	_ =	sdelay $0x3  }
0x34: {  	[smem:$0x3FBA] =	sst s10  }
0x35: {  	s10 =	sld [smem:$0x3FB9];
	_ =	sdelay $0x3  }
0x36: {  	p1 =	seq.s32 s10, $0x1;
	s10 =	sld [smem:$0x3FBA];
	_ =	sdelay $0x3  }
0x37: {  	[smem:$0x3FBA] =	sst s10  }
0x38: {  	s10 =	sld [smem:$0x3FBB]  }
0x39: {  	_ = 	snop;
	(pc) =	sbr.ind lr, $3  }
0x3a: {  	_ = 	snop  }
0x3b: {  	_ = 	snop  }
0x3c: {  	p2 =	seq.s32 s10, $0x1;
	s10 =	sld [smem:$0x3FBA]  }
0x3d: {  	_ =	shalt  }
0x3e: {  	_ =	shalt  }
0x3f: {  	_ =	shalt  }
0x40: {  	_ =	shalt  }
0x41: {  	_ =	shalt  }
0x42: {  	_ =	shalt  }
0x43: {  	_ =	shalt  }
0x44: {  	_ =	shalt  }
0x45: {  	_ =	shalt  }
0x46: {  	_ =	shalt  }
0x47: {  	_ =	shalt  }
0x48: {  	_ =	shalt  }
0x49: {  	_ =	shalt  }
0x4a: {  	_ =	shalt  }
0x4b: {  	_ =	shalt  }
0x4c: {  	_ =	shalt  }
0x4d: {  	_ =	shalt  }
0x4e: {  	_ =	shalt  }
0x4f: {  	_ =	shalt  }
0x50: {  	_ =	shalt  }
0x51: {  	_ =	shalt  }
0x52: {  	_ =	shalt  }
0x53: {  	_ =	shalt  }
0x54: {  	_ =	shalt  }
0x55: {  	_ =	shalt  }
0x56: {  	_ =	shalt  }
0x57: {  	_ =	shalt  }
0x58: {  	_ =	shalt  }
0x59: {  	_ =	shalt  }
0x5a: {  	_ =	shalt  }
0x5b: {  	_ =	shalt  }
0x5c: {  	_ =	shalt  }
0x5d: {  	_ =	shalt  }
0x5e: {  	_ =	shalt  }
0x5f: {  	_ =	shalt  }
0x60: {  	_ =	shalt  }
0x61: {  	_ =	shalt  }
0x62: {  	_ =	shalt  }
0x63: {  	_ =	shalt  }
0x64: {  	_ =	shalt  }
0x65: {  	_ =	shalt  }
0x66: {  	_ =	shalt  }
0x67: {  	_ =	shalt  }
0x68: {  	_ =	shalt  }
0x69: {  	_ =	shalt  }
0x6a: {  	_ =	shalt  }
0x6b: {  	_ =	shalt  }
0x6c: {  	_ =	shalt  }
0x6d: {  	_ =	shalt  }
0x6e: {  	_ =	shalt  }
0x6f: {  	_ =	shalt  }
0x70: {  	_ =	shalt  }
0x71: {  	_ =	shalt  }
0x72: {  	_ =	shalt  }
0x73: {  	_ =	shalt  }
0x74: {  	_ =	shalt  }
0x75: {  	_ =	shalt  }
0x76: {  	_ =	shalt  }
0x77: {  	_ =	shalt  }
0x78: {  	_ =	shalt  }
0x79: {  	_ =	shalt  }
0x7a: {  	_ =	shalt  }
0x7b: {  	_ =	shalt  }
0x7c: {  	_ =	shalt  }
0x7d: {  	_ =	shalt  }
0x7e: {  	_ =	shalt  }
0x7f: {  	_ =	shalt  }
0x80: {  	_ =	shalt  }
0x81: {  	_ =	shalt  }
0x82: {  	_ =	shalt  }
0x83: {  	_ =	shalt  }
0x84: {  	_ =	shalt  }
0x85: {  	_ =	shalt  }
0x86: {  	_ =	shalt  }
0x87: {  	_ =	shalt  }
.Lfunc_end0:
.L_simem_size_0:
called_computation_lowered:
.L_overlay_start_0:
0x88: {  	s2 =	sld [smem:$0x3FD9]  }
0x89: {  	s3 =	sld [smem:$0x3FFE];
	_ =	sdelay $0x1  }
0x8a: {  	s1 =	srdreg.scid  }
0x8b: {  	s0 =	sand.u32 $0x1, s1  }
0x8c: {  	s14 =	sshll.u32 s0, $0xA;
	s2 =	sadd.s32 s3, s2  }
0x8d: {  	s2 =	sadd.s32 s2, s14  }
0x8e: {  	[smem:$0x3FC6] =	sst s2  }
0x8f: {  	_ = 	snop  }
0x90: {  	s2 =	sld [smem:$0x3FD0];
	_ =	sdelay $0x2  }
0x91: {  	s4 =	simm.s32 $0xB;
	s5 =	simm.s32 $0x10;
	s15 =	sld [smem:$0x3FC8]  }
0x92: {  	[smem:s5], [sflag:s4] =	dma.local [hbm:s2], $0x1  }
0x93: {  	_ =	swait.eq [sflag:s4], $0x1  }
0x94: {  	[sflag:s4] =	ssyncset.done $0x0  }
0x95: {  	[sflag:s4] =	ssyncadd.s32 $0xFFFFFFFF  }
0x96: {  	s16 =	sld [smem:$0x10];
	(tm) =	ssettm $0x1  }
0x97: {  	s17 =	sld [smem:$0x3FFB];
	_ =	sdelay $0x3  }
0x98: {  	_ =	strace s17  }
0x99: {  	s4 =	sld [smem:$0x3FFC];
	_ =	sdelay $0x3  }
0x9a: {  	_ =	strace s4  }
0x9b: {  	s4 =	sld [smem:$0x3FFD];
	_ =	sdelay $0x3  }
0x9c: {  	_ =	strace s4  }
0x9d: {  	_ =	strace $0x8FFFFFFF  }
0x9e: {  	s18 =	sld [smem:$0x3FDB];
	_ =	sdelay $0x1  }
0x9f: {  	s19 =	simm.s32 $_scs_section_size  }
0xa0: {  	s6 =	simm.s32 $_size__tile_overlayer_lowered;
	s7 =	simm.s32 $_tile_overlayer_lowered  }
0xa1: {  	s22 =	simm.s32 $0x1BFF;
	s21 =	sshll.u32 s7, $0x1;
	s4 =	sadd.s32 s19, s18  }
0xa2: {  	s8 =	simm.s32 $0x0;
	s20 =	sshll.u32 s6, $0x1;
	s6 =	sadd.s32 s21, s4  }
0xa3: {  	[timem:s8], [sflag:s22] =	dma.local [hbm:s6], s20  }
0xa4: {  	_ =	swait.ge [sflag:s22], s20  }
0xa5: {  	s5 =	ssub.s32 $0x0, s20;
	[sflag:s22] =	ssyncset.done $0x0  }
0xa6: {  	[sflag:s22] =	ssyncadd.s32 s5;
	_ =	sdelay $0x1  }
0xa7: {  	s23 =	simm.s32 $0x1B8B  }
0xa8: {  	_ =	swait.ge [sflag:s23], $0x1  }
0xa9: {  	[sflag:s23] =	ssyncset.done $0x0  }
0xaa: {  	s25 =	simm.s32 $0x1B8E;
	s24 =	sld [smem:$0x3FFE];
	[sflag:s23] =	ssyncadd.s32 $0xFFFFFFFF  }
0xab: {  	s26 =	simm.s32 $execute0_lowered;
	[smem:$0x3FD2] =	sst s25  }
0xac: {  	s6 =	sshll.u32 s26, $0x1;
	_ =	strace $0x80000046;
	[dreg:$0x1] =	wrdreg $0xFFFFFFFF  }
0xad: {  	s28 =	simm.s32 $_size_execute0_lowered;
	s4 =	sadd.s32 s4, s6;
	[dreg:$0x0] =	wrdreg $0x0  }
0xae: {  	s6 =	sshll.u32 s28, $0x1;
	[dreg:$0x2] =	wrdreg s4  }
0xaf: {  	[dreg:$0x3] =	wrdreg s6  }
0xb0: {  	[dreg:$0x4] =	wrdreg $0xC0  }
0xb1: {  	_ =	task [dreg:s8], $0x5FFFF  }
0xb2: {  	[dreg:$0x1] =	wrdreg $0xFFFFFFFF  }
0xb3: {  	[dreg:$0x0] =	wrdreg $0x60  }
0xb4: {  	[dreg:$0x2] =	wrdreg s15  }
0xb5: {  	[dreg:$0x3] =	wrdreg s24  }
0xb6: {  	[dreg:$0x4] =	wrdreg s16  }
0xb7: {  	[dreg:$0x5] =	wrdreg $0x9  }
0xb8: {  	_ =	task.clear_ibuf [dreg:s8], $0x6FFFF;
	_ =	strace $0x90000046  }
0xb9: {  	s29 =	simm.s32 $0x9;
	_ =	strace $0x80000048  }
0xba: {  	_ =	swait.ge [sflag:s29], $0x1  }
0xbb: {  	[sflag:s29] =	ssyncadd.s32 $0xFFFFFFFF  }
0xbc: {  	_ =	strace $0x90000048  }
0xbd: {  	_ =	sfence  }
0xbe: {  	s30 =	sld [smem:$0x0];
	_ =	sdelay $0x2  }
0xbf: {  	s31 =	sshll.u32 s1, $0xD;
	s1 =	sshrl.u32 s1, $0x2  }
0xc0: {  	s3 =	sand.u32 $0x4000, s31;
	s1 =	sadd.s32 s1, s30  }
0xc1: {  	s0 =	sor.u32 s3, s0;
	s1 =	sshll.u32 s1, $0x11  }
0xc2: {  	s0 =	sor.u32 s1, s0  }
0xc3: {  	s0 =	sadd.s32 $0x8F2B, s0  }
0xc4: {  	[sflag:s0] =	ssyncadd.remote.s32 $0x1  }
0xc5: {  	_ =	sfence.sel $0xFFFF  }
0xc6: {  	[dreg:$0x0] =	wrdreg $0xFFFFFFFF;
	(pc) =	sbr.abs _section_cstart, $3  }
0xc7: {  	[dreg:$0x1] =	wrdreg $0xFFFFFFFF  }
0xc8: {  	_ =	task.clear_ibuf [dreg:s8], $0x2FFFF;
	_ =	strace $0x9FFFFFFF  }
0xc9: {  	(tm) =	ssettm $0x7FFFFFFF  }
tec
execute0_lowered:
.L_overlay_start_1:
0x0: {  	(tag) =	ssettag $0x1  }
0x1: {  	s1 =	rddreg [dreg:$0x0]  }
0x2: {  	s5 =	rddreg [dreg:$0x1]  }
0x3: {  	s2 =	rddreg [dreg:$0x2]  }
0x4: {  	s4 =	srdreg.scid;
	s0 =	rddreg [dreg:$0x3];
	s3 =	simm.s32 $0x0  }
0x5: {  	s9 =	simm.s32 $0x880;
	s10 =	simm.s32 $0x1080;
	s11 =	simm.s32 $0x1880  }
0x6: {  	s12 =	simm.s32 $0x2080;
	s13 =	simm.s32 $0x2880;
	s14 =	simm.s32 $0x3080  }
0x7: {  	s15 =	simm.s32 $0x3880;
	s16 =	simm.s32 $0x4080;
	s17 =	simm.s32 $0x4880  }
0x8: {  	s18 =	simm.s32 $0x5080;
	s19 =	simm.s32 $0x5880;
	s20 =	simm.s32 $0x6080  }
0x9: {  	s21 =	simm.s32 $0x6880;
	s22 =	simm.s32 $0x7080;
	s23 =	simm.s32 $0x7880  }
0xa: {  	s24 =	simm.s32 $0x1;
	s25 =	simm.s32 $0x0;
	s6 =	sand.u32 $0x1, s4  }
0xb: {  	[smem:$0x7FF] =	sst s3;
	s4 =	stileid.u32;
	s7 =	ssub.s32 $0x2, s6  }
0xc: {  	v2 =	vlaneseq.u32;
	s5 =	sadd.s32 $0x1200, s5;
	_ =	strace $0x80000047;
	s8 =	sshrl.u32 s7, $0x1  }
0xd: {  	vm0 =	vmmov $0xffff;
	v1 =	vshrl.u32 v2, $0x3;
	s31 =	sshll.u32 s4, $0x9;
	s6 =	sshll.u32 s6, $0x8;
	s7 =	ssub.s32 s7, s8  }
0xe: {  	v0 =	vand.u32 $0x7, v2;
	v2 =	vor.u32 $0x8, v2;
	v1 =	vmul.u32 $0x8, v1;
	s6 =	sor.u32 s6, s31;
	s8 =	simm.s32 $0x2;
	s7 =	smax.u32 s7, $0x1  }
.LBB2_1:
0xf: {  	p0 =	por $0x1, $0x1;
	s28 =	simm.s32 $0x0  }
.LBB2_2:
0x10: {  	s26 =	sor.u32 s6, s28  }
0x11: {  	s28 =	sshrl.u32 s26, $0x3  }
0x12: {  	s28 =	sadd.s32 s5, s28  }
0x13: {  	[tilespmem:s3], [sflag:$0x2] =	stream.linear.gather [hbm4b:s28+s3], $0x80, $0x38;
	[tilespmem:$0x8080] =	vst v63  }
0x14: {  	_ =	swait.ge [sflag:s8], $0x80  }
0x15: {  	[sflag:s8] =	ssyncset.done $0x0  }
0x16: {  	[sflag:s8] =	ssyncadd.s32 $0xFFFFFF80  }
0x17: {  	v3 =	vld [tilespmem:$0x0];
	_ =	sdelay $0x4  }
0x18: {  	v4 =	vshll.u32 v3, $0x1  }
0x19: {  	v3 =	vand.u32 $0x7, v3;
	v4 =	vand.u32 $0xFFFFFFF0, v4  }
0x1a: {  	v3 =	vor.u32 v3, v4  }
0x1b: {  	v4 =	vperm.xlane v3, v0;
	_ =	sdelay $0x1  }
0x1c: {  	v3 =	vperm.xlane v3, v2;
	v4 =	vadd.s32 v1, v4;
	_ =	sdelay $0x1  }
0x1d: {  	v3 =	vadd.s32 v1, v3;
	_ =	sdelay $0x1  }
0x1e: {  	s28 =	simm.s32 $0x80  }
0x1f: {  	[tilespmem:s28], [sflag:$0x1] =	stream.indirect_vreg.gather [hbm4b:s1+s3], $0x80, v4, vm0, $0xb8;
	[tilespmem:$0x8080] =	vst v63  }
0x20: {  	_ = 	snop  }
0x21: {  	[tilespmem:s9], [sflag:$0x1] =	stream.indirect_vreg.gather [hbm4b:s1+s3], $0x80, v3, vm0, $0xb8;
	[tilespmem:$0x8080] =	vst v63  }
0x22: {  	v3 =	vld [tilespmem:$0x10];
	_ =	sdelay $0x4  }
0x23: {  	v57 =	vshll.u32 v3, $0x1  }
0x24: {  	v3 =	vand.u32 $0x7, v3;
	v4 =	vand.u32 $0xFFFFFFF0, v57  }
0x25: {  	v3 =	vor.u32 v3, v4  }
0x26: {  	v4 =	vperm.xlane v3, v0;
	_ =	sdelay $0x1  }
0x27: {  	v3 =	vperm.xlane v3, v2;
	v4 =	vadd.s32 v1, v4;
	_ =	sdelay $0x1  }
0x28: {  	v3 =	vadd.s32 v1, v3;
	_ =	sdelay $0x2  }
0x29: {  	[tilespmem:s10], [sflag:$0x1] =	stream.indirect_vreg.gather [hbm4b:s1+s3], $0x80, v4, vm0, $0xb8;
	[tilespmem:$0x8080] =	vst v63  }
0x2a: {  	_ = 	snop  }
0x2b: {  	[tilespmem:s11], [sflag:$0x1] =	stream.indirect_vreg.gather [hbm4b:s1+s3], $0x80, v3, vm0, $0xb8;
	[tilespmem:$0x8080] =	vst v63  }
0x2c: {  	v3 =	vld [tilespmem:$0x20];
	_ =	sdelay $0x4  }
0x2d: {  	v58 =	vshll.u32 v3, $0x1  }
0x2e: {  	v3 =	vand.u32 $0x7, v3;
	v4 =	vand.u32 $0xFFFFFFF0, v58  }
0x2f: {  	v3 =	vor.u32 v3, v4  }
0x30: {  	v4 =	vperm.xlane v3, v0;
	_ =	sdelay $0x1  }
0x31: {  	v3 =	vperm.xlane v3, v2;
	v4 =	vadd.s32 v1, v4;
	_ =	sdelay $0x1  }
0x32: {  	v3 =	vadd.s32 v1, v3;
	_ =	sdelay $0x2  }
0x33: {  	[tilespmem:s12], [sflag:$0x1] =	stream.indirect_vreg.gather [hbm4b:s1+s3], $0x80, v4, vm0, $0xb8;
	[tilespmem:$0x8080] =	vst v63  }
0x34: {  	_ = 	snop  }
0x35: {  	[tilespmem:s13], [sflag:$0x1] =	stream.indirect_vreg.gather [hbm4b:s1+s3], $0x80, v3, vm0, $0xb8;
	[tilespmem:$0x8080] =	vst v63  }
0x36: {  	v3 =	vld [tilespmem:$0x30];
	_ =	sdelay $0x4  }
0x37: {  	v59 =	vshll.u32 v3, $0x1  }
0x38: {  	v3 =	vand.u32 $0x7, v3;
	v4 =	vand.u32 $0xFFFFFFF0, v59  }
0x39: {  	v3 =	vor.u32 v3, v4  }
0x3a: {  	v4 =	vperm.xlane v3, v0;
	_ =	sdelay $0x1  }
0x3b: {  	v3 =	vperm.xlane v3, v2;
	v4 =	vadd.s32 v1, v4;
	_ =	sdelay $0x1  }
0x3c: {  	v3 =	vadd.s32 v1, v3;
	_ =	sdelay $0x2  }
0x3d: {  	[tilespmem:s14], [sflag:$0x1] =	stream.indirect_vreg.gather [hbm4b:s1+s3], $0x80, v4, vm0, $0xb8;
	[tilespmem:$0x8080] =	vst v63  }
0x3e: {  	_ = 	snop  }
0x3f: {  	[tilespmem:s15], [sflag:$0x1] =	stream.indirect_vreg.gather [hbm4b:s1+s3], $0x80, v3, vm0, $0xb8;
	[tilespmem:$0x8080] =	vst v63  }
0x40: {  	v3 =	vld [tilespmem:$0x40];
	_ =	sdelay $0x4  }
0x41: {  	v60 =	vshll.u32 v3, $0x1  }
0x42: {  	v3 =	vand.u32 $0x7, v3;
	v4 =	vand.u32 $0xFFFFFFF0, v60  }
0x43: {  	v3 =	vor.u32 v3, v4  }
0x44: {  	v4 =	vperm.xlane v3, v0;
	_ =	sdelay $0x1  }
0x45: {  	v3 =	vperm.xlane v3, v2;
	v4 =	vadd.s32 v1, v4;
	_ =	sdelay $0x1  }
0x46: {  	v3 =	vadd.s32 v1, v3;
	_ =	sdelay $0x2  }
0x47: {  	[tilespmem:s16], [sflag:$0x1] =	stream.indirect_vreg.gather [hbm4b:s1+s3], $0x80, v4, vm0, $0xb8;
	[tilespmem:$0x8080] =	vst v63  }
0x48: {  	_ = 	snop  }
0x49: {  	[tilespmem:s17], [sflag:$0x1] =	stream.indirect_vreg.gather [hbm4b:s1+s3], $0x80, v3, vm0, $0xb8;
	[tilespmem:$0x8080] =	vst v63  }
0x4a: {  	v3 =	vld [tilespmem:$0x50];
	_ =	sdelay $0x4  }
0x4b: {  	v61 =	vshll.u32 v3, $0x1  }
0x4c: {  	v3 =	vand.u32 $0x7, v3;
	v4 =	vand.u32 $0xFFFFFFF0, v61  }
0x4d: {  	v3 =	vor.u32 v3, v4  }
0x4e: {  	v4 =	vperm.xlane v3, v0;
	_ =	sdelay $0x1  }
0x4f: {  	v3 =	vperm.xlane v3, v2;
	v4 =	vadd.s32 v1, v4;
	_ =	sdelay $0x1  }
0x50: {  	v3 =	vadd.s32 v1, v3;
	_ =	sdelay $0x2  }
0x51: {  	[tilespmem:s18], [sflag:$0x1] =	stream.indirect_vreg.gather [hbm4b:s1+s3], $0x80, v4, vm0, $0xb8;
	[tilespmem:$0x8080] =	vst v63  }
0x52: {  	_ = 	snop  }
0x53: {  	[tilespmem:s19], [sflag:$0x1] =	stream.indirect_vreg.gather [hbm4b:s1+s3], $0x80, v3, vm0, $0xb8;
	[tilespmem:$0x8080] =	vst v63  }
0x54: {  	v3 =	vld [tilespmem:$0x60];
	_ =	sdelay $0x4  }
0x55: {  	v62 =	vshll.u32 v3, $0x1  }
0x56: {  	v3 =	vand.u32 $0x7, v3;
	v4 =	vand.u32 $0xFFFFFFF0, v62  }
0x57: {  	v3 =	vor.u32 v3, v4  }
0x58: {  	v4 =	vperm.xlane v3, v0;
	_ =	sdelay $0x1  }
0x59: {  	v3 =	vperm.xlane v3, v2;
	v4 =	vadd.s32 v1, v4;
	_ =	sdelay $0x1  }
0x5a: {  	v3 =	vadd.s32 v1, v3;
	_ =	sdelay $0x2  }
0x5b: {  	[tilespmem:s20], [sflag:$0x1] =	stream.indirect_vreg.gather [hbm4b:s1+s3], $0x80, v4, vm0, $0xb8;
	[tilespmem:$0x8080] =	vst v63  }
0x5c: {  	_ = 	snop  }
0x5d: {  	[tilespmem:s21], [sflag:$0x1] =	stream.indirect_vreg.gather [hbm4b:s1+s3], $0x80, v3, vm0, $0xb8;
	[tilespmem:$0x8080] =	vst v63  }
0x5e: {  	v3 =	vld [tilespmem:$0x70];
	_ =	sdelay $0x4  }
0x5f: {  	v63 =	vshll.u32 v3, $0x1  }
0x60: {  	v3 =	vand.u32 $0x7, v3;
	v4 =	vand.u32 $0xFFFFFFF0, v63  }
0x61: {  	v3 =	vor.u32 v3, v4  }
0x62: {  	v4 =	vperm.xlane v3, v0;
	_ =	sdelay $0x1  }
0x63: {  	v3 =	vperm.xlane v3, v2;
	v4 =	vadd.s32 v1, v4;
	_ =	sdelay $0x1  }
0x64: {  	v3 =	vadd.s32 v1, v3;
	_ =	sdelay $0x2  }
0x65: {  	[tilespmem:s22], [sflag:$0x1] =	stream.indirect_vreg.gather [hbm4b:s1+s3], $0x80, v4, vm0, $0xb8;
	[tilespmem:$0x8080] =	vst v63  }
0x66: {  	_ = 	snop  }
0x67: {  	[tilespmem:s23], [sflag:$0x1] =	stream.indirect_vreg.gather [hbm4b:s1+s3], $0x80, v3, vm0, $0xb8;
	[tilespmem:$0x8080] =	vst v63  }
0x68: {  	_ =	swait.ge [sflag:s24], $0x8000  }
0x69: {  	p1 =	por p0, p0;
	s26 =	sshll.u32 s26, $0x5;
	[sflag:s24] =	ssyncset.done $0x0  }
.Ltmp0:
0x6a: {  	s26 =	sadd.s32 s2, s26;
	[sflag:s24] =	ssyncadd.s32 $0xFFFF8000;
	(pc) =	sbr.rel @p1 .LBB2_2-.Ltmp0, $4  }
0x6b: {  	[hbm4b:s26+s3] =	stream.linear.scatter [tilespmem:s28], [sflag:$0x2], $0x8000, $0x38;
	[tilespmem:$0x8080] =	vst v63  }
0x6c: {  	_ =	swait.ge [sflag:s8], $0x8000  }
0x6d: {  	[sflag:s8] =	ssyncset.done $0x0  }
0x6e: {  	p0 =	por $0x0, $0x0;
	[sflag:s8] =	ssyncadd.s32 $0xFFFF8000  }
0x6f: {  	s25 =	sadd.s32 $0x1, s25  }
0x70: {  	p0 =	sne.s32 s25, s7  }
.Ltmp1:
0x71: {  	_ = 	snop;
	(pc) =	sbr.rel @p0 .LBB2_1-.Ltmp1, $1  }
0x72: {  	_ =	sdelay $0x3  }
0x73: {  	_ =	sfence.sel $0x180000  }
0x74: {  	[bflag:$0x0] =	sbarrier.arrive $0xFFFF  }
0x75: {  	p0 =	sne.s32 s4, $0x0;
	_ =	strace $0x90000047  }
0x76: {  	s0 =	sadd.s32 @!p0 $0x100000, s0;
	[bflag:$0x2] =	sbarrier.arrive $0xFFFF  }
0x77: {  	[sflag:s0] =	ssyncadd.tile.s32 @!p0 $0x1;
	_ =	shalt  }
.Lfunc_end2:
_tile_overlayer_lowered:
.L_overlay_start_2:
0x78: {  	(tag) =	ssettag $0x2  }
0x79: {  	s0 =	rddreg [dreg:$0x0];
	s2 =	stileid.u32  }
0x7a: {  	s1 =	rddreg [dreg:$0x1];
	p0 =	sne.s32 s2, $0x0  }
0x7b: {  	s3 =	rddreg [dreg:$0x2];
	[bflag:$0x3] =	sbarrier.arrive $0xFFFF;
	s2 =	simm.s32 @!p0 $0x1C02  }
0x7c: {  	[timem:s3], [sflag:s2] =	dma.local @!p0 [hbm:s0], s1  }
0x7d: {  	s0 =	simm.s32 @!p0 $0x2  }
0x7e: {  	_ =	swait.ge @!p0 [sflag:s0], s1  }
0x7f: {  	s1 =	ssub.s32 @!p0 $0x0, s1;
	[sflag:s0] =	ssyncset.done @!p0 $0x0  }
0x80: {  	[sflag:s0] =	ssyncadd.s32 @!p0 s1  }
0x81: {  	[bflag:$0x3] =	sbarrier.arrive $0xFFFF  }
0x82: {  	_ =	shalt  }

</sc_bundles>
